<compile_context>
chip_gen: v7x
topology: tpu7x:2x2x1
jax: 0.10.2.dev20260603
libtpu: 0.0.44.dev20260713+nightly
codegen_flags: <defaults>
</compile_context>

<pallas_src>
import dataclasses
import functools

import jax
import jax.numpy as jnp
from jax import lax
from jax.experimental import pallas as pl
from jax.experimental.pallas import tpu as pltpu
from jax.experimental.pallas import tpu_sc as plsc

N_USER = 2048
N_ITEM = 2048
LATDIM = 128
N_NODES = N_USER + N_ITEM
N_EDGES = 131072

NC, NS = 2, 16
NW = NC * NS
EDGES_PER_W = N_EDGES // NW
CHUNK = 128
N_CHUNKS = EDGES_PER_W // CHUNK
ROWS_PER_SUB = N_NODES // NS


def _spmm_sc(dst, col, vals, x, zeros):
    mesh = plsc.VectorSubcoreMesh(core_axis_name="c", subcore_axis_name="s")
    cp = pltpu.CompilerParams()
    if "needs_layout_passes" in pltpu.CompilerParams.__dataclass_fields__:
        cp = dataclasses.replace(cp, needs_layout_passes=False)

    @functools.partial(
        pl.kernel,
        compiler_params=cp,
        out_type=jax.ShapeDtypeStruct((NC, N_NODES, LATDIM), jnp.float32),
        mesh=mesh,
        scratch_types=[
            pltpu.VMEM_SHARED((N_NODES, LATDIM), jnp.float32),
            pltpu.VMEM((N_CHUNKS, CHUNK), jnp.int32),
            pltpu.VMEM((N_CHUNKS, CHUNK), jnp.int32),
            pltpu.VMEM((EDGES_PER_W,), jnp.float32),
            pltpu.VMEM((CHUNK, LATDIM), jnp.float32),
            pltpu.VMEM((CHUNK, LATDIM), jnp.float32),
            pltpu.SemaphoreType.DMA,
            pltpu.SemaphoreType.DMA,
        ],
    )
    def k(dst_hbm, col_hbm, vals_hbm, x_hbm, z_hbm, out_hbm,
          acc, dst_v, col_v, vals_v, rows0, rows1, gsem0, gsem1):
        cid = lax.axis_index("c")
        sid = lax.axis_index("s")
        wid = cid * NS + sid
        stripe = pl.ds(sid * ROWS_PER_SUB, ROWS_PER_SUB)
        pltpu.sync_copy(z_hbm.at[stripe], acc.at[stripe])
        pltpu.sync_copy(dst_hbm.at[wid], dst_v)
        pltpu.sync_copy(col_hbm.at[wid], col_v)
        pltpu.sync_copy(vals_hbm.at[wid], vals_v)
        plsc.subcore_barrier()

        rows = (rows0, rows1)
        gsem = (gsem0, gsem1)

        def fire(b, ci):
            ci = jnp.minimum(ci, N_CHUNKS - 1)
            return pltpu.async_copy(x_hbm.at[col_v.at[ci]], rows[b], gsem[b])

        def drain(b, ci):
            ci = jnp.minimum(ci, N_CHUNKS - 1)
            pltpu.make_async_copy(x_hbm.at[col_v.at[ci]],
                                  rows[b], gsem[b]).wait()

        def scale_and_scatter(b, ci):
            @pl.loop(0, CHUNK)
            def _(e):
                v = plsc.load_gather(
                    vals_v, [jnp.full((16,), ci * CHUNK + e, jnp.int32)])
                for jb in range(LATDIM // 16):
                    slc = (e, pl.ds(jb * 16, 16))
                    rows[b][slc] = rows[b][slc] * v

            pltpu.sync_copy(rows[b], acc.at[dst_v.at[ci]], add=True)

        fire(0, 0)

        @pl.loop(0, N_CHUNKS, step=2)
        def _(cg):
            fire(1, cg + 1)
            drain(0, cg)
            scale_and_scatter(0, cg)
            fire(0, cg + 2)
            drain(1, cg + 1)
            scale_and_scatter(1, cg + 1)

        drain(0, N_CHUNKS)

        plsc.subcore_barrier()
        pltpu.sync_copy(acc.at[stripe], out_hbm.at[cid, stripe])

    parts = k(dst, col, vals, x, zeros)
    return parts[0] + parts[1]


def _mm_kernel_relu_skip(w_ref, x_ref, xs_ref, o_ref):
    acc = jnp.dot(w_ref[...], x_ref[...], preferred_element_type=jnp.float32)
    o_ref[...] = jnp.maximum(acc, 0.0) + xs_ref[...]


def _mm_kernel_relu(w_ref, x_ref, o_ref):
    acc = jnp.dot(w_ref[...], x_ref[...], preferred_element_type=jnp.float32)
    o_ref[...] = jnp.maximum(acc, 0.0)


def _mm_kernel_plain(w_ref, x_ref, o_ref):
    o_ref[...] = jnp.dot(w_ref[...], x_ref[...],
                         preferred_element_type=jnp.float32)


def _hyper_mm(w, x, mode):
    n, d = w.shape[0], x.shape[1]
    blk = 256
    in_specs = [
        pl.BlockSpec((blk, w.shape[1]), lambda i: (i, 0)),
        pl.BlockSpec((x.shape[0], d), lambda i: (0, 0)),
    ]
    if mode == "relu_skip":
        fn = _mm_kernel_relu_skip
        in_specs.append(pl.BlockSpec((blk, d), lambda i: (i, 0)))
        args = (w, x, x)
    elif mode == "relu":
        fn = _mm_kernel_relu
        args = (w, x)
    else:
        fn = _mm_kernel_plain
        args = (w, x)
    return pl.pallas_call(
        fn,
        grid=(n // blk,),
        in_specs=in_specs,
        out_specs=pl.BlockSpec((blk, d), lambda i: (i, 0)),
        out_shape=jax.ShapeDtypeStruct((n, d), jnp.float32),
    )(*args)


def _learned_kernel(hu_ref, hut_ref, wlx_ref, e_ref, o_ref):
    a = hu_ref[...] * 2.0
    b = hut_ref[...] * 2.0
    an = a / jnp.maximum(
        jnp.sqrt(jnp.sum(a * a, axis=1, keepdims=True)), 1e-8)
    bn = b / jnp.maximum(
        jnp.sqrt(jnp.sum(b * b, axis=1, keepdims=True)), 1e-8)
    t = lax.dot_general(bn, wlx_ref[...], (((0,), (0,)), ((), ())),
                        preferred_element_type=jnp.float32)
    y = jnp.dot(an, t, preferred_element_type=jnp.float32)
    o_ref[...] = jnp.maximum(y, 0.0) + e_ref[...]


def _learned(hu, hut, wlx, e):
    n, d = hu.shape
    return pl.pallas_call(
        _learned_kernel,
        out_shape=jax.ShapeDtypeStruct((n, d), jnp.float32),
    )(hu, hut, wlx, e)


def kernel(edge_index, edge_vals, uuHyper, iiHyper, uuHypertemp, iiHypertemp,
           uuHyper_wL, iiHyper_wL, uEmbeds, iEmbeds, keepRate=1):
    dst = edge_index[0].reshape(NW, N_CHUNKS, CHUNK)
    col = edge_index[1].reshape(NW, N_CHUNKS, CHUNK)
    vals = edge_vals.reshape(NW, EDGES_PER_W)
    embeds = jnp.concatenate([uEmbeds, iEmbeds], axis=0)
    zeros = jnp.zeros((N_NODES, LATDIM), jnp.float32)

    hU = _hyper_mm(uuHyper, uEmbeds, "relu_skip")
    hI = _hyper_mm(iiHyper, iEmbeds, "relu_skip")
    hUt = _hyper_mm(uuHypertemp, uEmbeds, "relu")
    hIt = _hyper_mm(iiHypertemp, iEmbeds, "relu")
    wlu = _hyper_mm(uuHyper_wL, uEmbeds, "plain")
    wli = _hyper_mm(iiHyper_wL, iEmbeds, "plain")

    LU = _learned(hU, hUt, wlu, uEmbeds)
    LI = _learned(hI, hIt, wli, iEmbeds)

    s1 = _spmm_sc(dst, col, vals, embeds, zeros)
    s2 = _spmm_sc(dst, col, vals, s1, zeros)

    embeds_out = embeds + s1 + s2
    hy = jnp.concatenate([hU, hI], axis=0)
    lh = jnp.concatenate([LU, LI], axis=0)
    return (embeds_out, s1, s2, hy, hy, lh, lh)

# --- scband reference (transcript-rebuilt; emitter-appended) ---
"""Pipeline reference for scband-prop-model2-26285199851851 (READ-ONLY COPY).

The authoritative reference and input builder live on the scoring server;
editing this copy changes nothing except your own understanding.
"""

import jax, jax.numpy as jnp
import numpy as np

N_USER = 2048
N_ITEM = 2048
LATDIM = 128
GNN_LAYER = 2
HYPERK = 1
N_NODES = N_USER + N_ITEM
N_EDGES = 131072


def spmm(edge_index, edge_vals, x, n):
    # sparse adj @ x : out[r] = sum_c adj[r, c] * x[c]
    msg = x[edge_index[1]] * edge_vals[:, None]
    return jax.ops.segment_sum(msg, edge_index[0], num_segments=n)


def pairwise_cosine_similarity(a, b, eps=1e-8):
    a_n = a / jnp.maximum(jnp.linalg.norm(a, axis=1, keepdims=True), eps)
    b_n = b / jnp.maximum(jnp.linalg.norm(b, axis=1, keepdims=True), eps)
    return a_n @ b_n.T


def learned_hyper_graph(hyper_wL, simi):
    # DataHandler.LearnedHyperGraph is external; faithful-in-spirit reconstruction:
    # combine the similarity-derived hyper structure with the learned weights
    # to produce a [n, n] propagation matrix.
    return simi @ hyper_wL


def setup_inputs(seed: int = 0) -> dict:
    key = jax.random.key(seed)
    ks = jax.random.split(key, 12)
    edge_index = jax.random.randint(ks[0], (2, N_EDGES), 0, N_NODES, dtype=jnp.int64 if jax.config.jax_enable_x64 else jnp.int32).astype(jnp.int32)
    edge_vals = jax.random.uniform(ks[1], (N_EDGES,), dtype=jnp.float32)
    sc = 0.02
    uuHyper = jax.random.normal(ks[2], (N_USER, N_USER), dtype=jnp.float32) * sc
    iiHyper = jax.random.normal(ks[3], (N_ITEM, N_ITEM), dtype=jnp.float32) * sc
    uuHypertemp = jax.random.normal(ks[4], (N_ITEM * HYPERK, N_USER), dtype=jnp.float32) * sc
    iiHypertemp = jax.random.normal(ks[5], (N_ITEM, N_ITEM), dtype=jnp.float32) * sc
    uuHyper_wL = jax.random.normal(ks[6], (N_ITEM * HYPERK, N_USER), dtype=jnp.float32) * sc
    iiHyper_wL = jax.random.normal(ks[7], (N_ITEM, N_ITEM), dtype=jnp.float32) * sc
    # learned parameters (xavier-ish init)
    xs = (2.0 / (N_USER + LATDIM)) ** 0.5
    uEmbeds = jax.random.normal(ks[8], (N_USER, LATDIM), dtype=jnp.float32) * xs
    iEmbeds = jax.random.normal(ks[9], (N_ITEM, LATDIM), dtype=jnp.float32) * xs
    return {
        "edge_index": edge_index,
        "edge_vals": edge_vals,
        "uuHyper": uuHyper,
        "iiHyper": iiHyper,
        "uuHypertemp": uuHypertemp,
        "iiHypertemp": iiHypertemp,
        "uuHyper_wL": uuHyper_wL,
        "iiHyper_wL": iiHyper_wL,
        "uEmbeds": uEmbeds,
        "iEmbeds": iEmbeds,
        "keepRate": 1,
    }


def reference(edge_index, edge_vals, uuHyper, iiHyper, uuHypertemp, iiHypertemp,
              uuHyper_wL, iiHyper_wL, uEmbeds, iEmbeds, keepRate=1):
    relu = jax.nn.relu
    # keepRate == 1.0 -> SpAdjDropEdge is the identity (deterministic reference)
    embeds = jnp.concatenate([uEmbeds, iEmbeds], axis=0)
    lats = [embeds]
    gnnLats = []
    hyperLats = []
    hyperLats_temp = []
    for _ in range(GNN_LAYER):
        temEmbeds = spmm(edge_index, edge_vals, lats[-1], N_NODES)
        hyperULat = relu(uuHyper @ uEmbeds) + uEmbeds
        hyperILat = relu(iiHyper @ iEmbeds) + iEmbeds
        hyperULat_temp = relu(uuHypertemp @ uEmbeds)
        hyperILat_temp = relu(iiHypertemp @ iEmbeds)
        gnnLats.append(temEmbeds)
        hyperLats.append(jnp.concatenate([hyperULat, hyperILat], axis=0))
        hyperLats_temp.append(jnp.concatenate([hyperULat_temp, hyperILat_temp], axis=0))
        lats.append(temEmbeds)
    embeds_out = sum(lats)
    hyembeds = sum(hyperLats)
    hytempembeds = sum(hyperLats_temp)
    HyperuEmbeds = hyembeds[:N_USER]
    HyperiEmbeds = hyembeds[N_USER:]
    split = N_ITEM * HYPERK
    HyperuEmbedstemp = hytempembeds[:split]
    HyperiEmbedstemp = hytempembeds[split:]
    uuHyperSimi = pairwise_cosine_similarity(HyperuEmbeds, HyperuEmbedstemp)
    iiHyperSimi = pairwise_cosine_similarity(HyperiEmbeds, HyperiEmbedstemp)
    uuLearnedHyper = learned_hyper_graph(uuHyper_wL, uuHyperSimi)
    iiLearnedHyper = learned_hyper_graph(iiHyper_wL, iiHyperSimi)
    LearnedhyperLats = []
    for _ in range(GNN_LAYER):
        LearnedhyperULat = relu(uuLearnedHyper @ uEmbeds) + uEmbeds
        LearnedhyperILat = relu(iiLearnedHyper @ iEmbeds) + iEmbeds
        LearnedhyperLats.append(jnp.concatenate([LearnedhyperULat, LearnedhyperILat], axis=0))
    return (embeds_out, *gnnLats, *hyperLats, *LearnedhyperLats)

if __name__ == "__main__":
    import jax
    _d = setup_inputs()
    print(jax.jit(kernel)(*tuple(_d.values())))

</pallas_src>

<mosaic_0001>
#map = affine_map<(d0, d1) -> (0, 0, 0)>
#map1 = affine_map<(d0, d1) -> (0, 0)>
module attributes {stable_mosaic.version = 14 : i64} {
  func.func @k(%arg0: i32, %arg1: i32, %arg2: memref<32x32x128xi32, #tpu.memory_space<hbm>>, %arg3: memref<32x32x128xi32, #tpu.memory_space<hbm>>, %arg4: memref<32x4096xf32, #tpu.memory_space<hbm>>, %arg5: memref<4096x128xf32, #tpu.memory_space<hbm>>, %arg6: memref<4096x128xf32, #tpu.memory_space<hbm>>, %arg7: memref<2x4096x128xf32, #tpu.memory_space<hbm>>, %arg8: memref<4096x128xf32, #tpu.memory_space<vmem_shared>>, %arg9: memref<32x128xi32, #tpu.memory_space<vmem>>, %arg10: memref<32x128xi32, #tpu.memory_space<vmem>>, %arg11: memref<4096xf32, #tpu.memory_space<vmem>>, %arg12: memref<128x128xf32, #tpu.memory_space<vmem>>, %arg13: memref<128x128xf32, #tpu.memory_space<vmem>>, %arg14: memref<!tpu.dma_semaphore, #tpu.memory_space<semaphore_mem>>, %arg15: memref<!tpu.dma_semaphore, #tpu.memory_space<semaphore_mem>>) attributes {dimension_semantics = [#tpu.dimension_semantics<core_parallel>, #tpu.dimension_semantics<subcore_parallel>], iteration_bounds = array<i64: 2, 16>, scalar_prefetch = 0 : i64, scratch_operands = 8 : i64, tpu.core_type = #tpu.core_type<sc_vector_subcore>, window_params = [{transform_indices = #map}, {transform_indices = #map}, {transform_indices = #map1}, {transform_indices = #map1}, {transform_indices = #map1}, {transform_indices = #map}]} {
    %mul3A = arith.constant 16 : i32
    %mul3A_0 = arith.muli %arg0, %mul3A : i32
    %add3A = arith.addi %mul3A_0, %arg1 : i32
    %mul3A_1 = arith.constant 256 : i32
    %mul3A_2 = arith.muli %arg1, %mul3A_1 : i32
    "tpu.region"() ({
      %run_scoped3A = tpu.sem_alloc : memref<!tpu.dma_semaphore, #tpu.memory_space<semaphore_mem>>
      %dma_start3A_23 = arith.constant 0 : i32
      %dma_start3A_24 = tpu.memref_slice %arg8[%mul3A_2, %dma_start3A_23] : memref<4096x128xf32, #tpu.memory_space<vmem_shared>> -> memref<256x128xf32, #tpu.memory_space<vmem_shared>>
      %dma_start3A_25 = arith.constant 0 : i32
      %dma_start3A_26 = tpu.memref_slice %arg6[%mul3A_2, %dma_start3A_25] : memref<4096x128xf32, #tpu.memory_space<hbm>> -> memref<256x128xf32, #tpu.memory_space<hbm>>
      tpu.enqueue_dma source(%dma_start3A_26 : memref<256x128xf32, #tpu.memory_space<hbm>>) target(%dma_start3A_24 : memref<256x128xf32, #tpu.memory_space<vmem_shared>>) target_semaphore(%run_scoped3A : memref<!tpu.dma_semaphore, #tpu.memory_space<semaphore_mem>>)
      %dma_wait3A_27 = arith.constant 0 : i32
      %dma_wait3A_28 = tpu.memref_slice %arg8[%mul3A_2, %dma_wait3A_27] : memref<4096x128xf32, #tpu.memory_space<vmem_shared>> -> memref<256x128xf32, #tpu.memory_space<vmem_shared>>
      %dma_wait3A_29 = arith.constant 0 : i32
      %dma_wait3A_30 = tpu.memref_slice %arg6[%mul3A_2, %dma_wait3A_29] : memref<4096x128xf32, #tpu.memory_space<hbm>> -> memref<256x128xf32, #tpu.memory_space<hbm>>
      tpu.wait_dma2 semaphore(%run_scoped3A : memref<!tpu.dma_semaphore, #tpu.memory_space<semaphore_mem>>) src(%dma_wait3A_30 : memref<256x128xf32, #tpu.memory_space<hbm>>) dst(%dma_wait3A_28 : memref<256x128xf32, #tpu.memory_space<vmem_shared>>)
      tpu.yield
    }) : () -> ()
    "tpu.region"() ({
      %run_scoped3A = tpu.sem_alloc : memref<!tpu.dma_semaphore, #tpu.memory_space<semaphore_mem>>
      %dma_start3A_23 = arith.constant 0 : i32
      %dma_start3A_24 = arith.constant 0 : i32
      %dma_start3A_25 = tpu.memref_slice %arg2[%add3A, %dma_start3A_23, %dma_start3A_24] : memref<32x32x128xi32, #tpu.memory_space<hbm>> -> memref<1x32x128xi32, #tpu.memory_space<hbm>>
      %dma_start3A_26 = tpu.memref_squeeze %dma_start3A_25 : memref<1x32x128xi32, #tpu.memory_space<hbm>> -> memref<32x128xi32, #tpu.memory_space<hbm>>
      %dma_start3A_27 = arith.constant 0 : i32
      %dma_start3A_28 = arith.constant 0 : i32
      %dma_start3A_29 = tpu.memref_slice %arg2[%add3A, %dma_start3A_27, %dma_start3A_28] : memref<32x32x128xi32, #tpu.memory_space<hbm>> -> memref<1x32x128xi32, #tpu.memory_space<hbm>>
      %dma_start3A_30 = tpu.memref_squeeze %dma_start3A_29 : memref<1x32x128xi32, #tpu.memory_space<hbm>> -> memref<32x128xi32, #tpu.memory_space<hbm>>
      tpu.enqueue_dma source(%dma_start3A_30 : memref<32x128xi32, #tpu.memory_space<hbm>>) target(%arg9 : memref<32x128xi32, #tpu.memory_space<vmem>>) target_semaphore(%run_scoped3A : memref<!tpu.dma_semaphore, #tpu.memory_space<semaphore_mem>>)
      %dma_wait3A_31 = arith.constant 0 : i32
      %dma_wait3A_32 = arith.constant 0 : i32
      %dma_wait3A_33 = tpu.memref_slice %arg2[%add3A, %dma_wait3A_31, %dma_wait3A_32] : memref<32x32x128xi32, #tpu.memory_space<hbm>> -> memref<1x32x128xi32, #tpu.memory_space<hbm>>
      %dma_wait3A_34 = tpu.memref_squeeze %dma_wait3A_33 : memref<1x32x128xi32, #tpu.memory_space<hbm>> -> memref<32x128xi32, #tpu.memory_space<hbm>>
      %dma_wait3A_35 = arith.constant 0 : i32
      %dma_wait3A_36 = arith.constant 0 : i32
      %dma_wait3A_37 = tpu.memref_slice %arg2[%add3A, %dma_wait3A_35, %dma_wait3A_36] : memref<32x32x128xi32, #tpu.memory_space<hbm>> -> memref<1x32x128xi32, #tpu.memory_space<hbm>>
      %dma_wait3A_38 = tpu.memref_squeeze %dma_wait3A_37 : memref<1x32x128xi32, #tpu.memory_space<hbm>> -> memref<32x128xi32, #tpu.memory_space<hbm>>
      tpu.wait_dma2 semaphore(%run_scoped3A : memref<!tpu.dma_semaphore, #tpu.memory_space<semaphore_mem>>) src(%dma_wait3A_38 : memref<32x128xi32, #tpu.memory_space<hbm>>) dst(%arg9 : memref<32x128xi32, #tpu.memory_space<vmem>>)
      tpu.yield
    }) : () -> ()
    "tpu.region"() ({
      %run_scoped3A = tpu.sem_alloc : memref<!tpu.dma_semaphore, #tpu.memory_space<semaphore_mem>>
      %dma_start3A_23 = arith.constant 0 : i32
      %dma_start3A_24 = arith.constant 0 : i32
      %dma_start3A_25 = tpu.memref_slice %arg3[%add3A, %dma_start3A_23, %dma_start3A_24] : memref<32x32x128xi32, #tpu.memory_space<hbm>> -> memref<1x32x128xi32, #tpu.memory_space<hbm>>
      %dma_start3A_26 = tpu.memref_squeeze %dma_start3A_25 : memref<1x32x128xi32, #tpu.memory_space<hbm>> -> memref<32x128xi32, #tpu.memory_space<hbm>>
      %dma_start3A_27 = arith.constant 0 : i32
      %dma_start3A_28 = arith.constant 0 : i32
      %dma_start3A_29 = tpu.memref_slice %arg3[%add3A, %dma_start3A_27, %dma_start3A_28] : memref<32x32x128xi32, #tpu.memory_space<hbm>> -> memref<1x32x128xi32, #tpu.memory_space<hbm>>
      %dma_start3A_30 = tpu.memref_squeeze %dma_start3A_29 : memref<1x32x128xi32, #tpu.memory_space<hbm>> -> memref<32x128xi32, #tpu.memory_space<hbm>>
      tpu.enqueue_dma source(%dma_start3A_30 : memref<32x128xi32, #tpu.memory_space<hbm>>) target(%arg10 : memref<32x128xi32, #tpu.memory_space<vmem>>) target_semaphore(%run_scoped3A : memref<!tpu.dma_semaphore, #tpu.memory_space<semaphore_mem>>)
      %dma_wait3A_31 = arith.constant 0 : i32
      %dma_wait3A_32 = arith.constant 0 : i32
      %dma_wait3A_33 = tpu.memref_slice %arg3[%add3A, %dma_wait3A_31, %dma_wait3A_32] : memref<32x32x128xi32, #tpu.memory_space<hbm>> -> memref<1x32x128xi32, #tpu.memory_space<hbm>>
      %dma_wait3A_34 = tpu.memref_squeeze %dma_wait3A_33 : memref<1x32x128xi32, #tpu.memory_space<hbm>> -> memref<32x128xi32, #tpu.memory_space<hbm>>
      %dma_wait3A_35 = arith.constant 0 : i32
      %dma_wait3A_36 = arith.constant 0 : i32
      %dma_wait3A_37 = tpu.memref_slice %arg3[%add3A, %dma_wait3A_35, %dma_wait3A_36] : memref<32x32x128xi32, #tpu.memory_space<hbm>> -> memref<1x32x128xi32, #tpu.memory_space<hbm>>
      %dma_wait3A_38 = tpu.memref_squeeze %dma_wait3A_37 : memref<1x32x128xi32, #tpu.memory_space<hbm>> -> memref<32x128xi32, #tpu.memory_space<hbm>>
      tpu.wait_dma2 semaphore(%run_scoped3A : memref<!tpu.dma_semaphore, #tpu.memory_space<semaphore_mem>>) src(%dma_wait3A_38 : memref<32x128xi32, #tpu.memory_space<hbm>>) dst(%arg10 : memref<32x128xi32, #tpu.memory_space<vmem>>)
      tpu.yield
    }) : () -> ()
    "tpu.region"() ({
      %run_scoped3A = tpu.sem_alloc : memref<!tpu.dma_semaphore, #tpu.memory_space<semaphore_mem>>
      %dma_start3A_23 = arith.constant 0 : i32
      %dma_start3A_24 = tpu.memref_slice %arg4[%add3A, %dma_start3A_23] : memref<32x4096xf32, #tpu.memory_space<hbm>> -> memref<1x4096xf32, #tpu.memory_space<hbm>>
      %dma_start3A_25 = tpu.memref_squeeze %dma_start3A_24 : memref<1x4096xf32, #tpu.memory_space<hbm>> -> memref<4096xf32, #tpu.memory_space<hbm>>
      %dma_start3A_26 = arith.constant 0 : i32
      %dma_start3A_27 = tpu.memref_slice %arg4[%add3A, %dma_start3A_26] : memref<32x4096xf32, #tpu.memory_space<hbm>> -> memref<1x4096xf32, #tpu.memory_space<hbm>>
      %dma_start3A_28 = tpu.memref_squeeze %dma_start3A_27 : memref<1x4096xf32, #tpu.memory_space<hbm>> -> memref<4096xf32, #tpu.memory_space<hbm>>
      tpu.enqueue_dma source(%dma_start3A_28 : memref<4096xf32, #tpu.memory_space<hbm>>) target(%arg11 : memref<4096xf32, #tpu.memory_space<vmem>>) target_semaphore(%run_scoped3A : memref<!tpu.dma_semaphore, #tpu.memory_space<semaphore_mem>>)
      %dma_wait3A_29 = arith.constant 0 : i32
      %dma_wait3A_30 = tpu.memref_slice %arg4[%add3A, %dma_wait3A_29] : memref<32x4096xf32, #tpu.memory_space<hbm>> -> memref<1x4096xf32, #tpu.memory_space<hbm>>
      %dma_wait3A_31 = tpu.memref_squeeze %dma_wait3A_30 : memref<1x4096xf32, #tpu.memory_space<hbm>> -> memref<4096xf32, #tpu.memory_space<hbm>>
      %dma_wait3A_32 = arith.constant 0 : i32
      %dma_wait3A_33 = tpu.memref_slice %arg4[%add3A, %dma_wait3A_32] : memref<32x4096xf32, #tpu.memory_space<hbm>> -> memref<1x4096xf32, #tpu.memory_space<hbm>>
      %dma_wait3A_34 = tpu.memref_squeeze %dma_wait3A_33 : memref<1x4096xf32, #tpu.memory_space<hbm>> -> memref<4096xf32, #tpu.memory_space<hbm>>
      tpu.wait_dma2 semaphore(%run_scoped3A : memref<!tpu.dma_semaphore, #tpu.memory_space<semaphore_mem>>) src(%dma_wait3A_34 : memref<4096xf32, #tpu.memory_space<hbm>>) dst(%arg11 : memref<4096xf32, #tpu.memory_space<vmem>>)
      tpu.yield
    }) : () -> ()
    %barrier3A = arith.constant 0 : index
    tpu.barrier barrier_id(%barrier3A)
    %min3A = arith.constant 0 : i32
    %min3A_3 = arith.constant 31 : i32
    %min3A_4 = arith.minsi %min3A, %min3A_3 : i32
    %dma_start3A = arith.constant 0 : i32
    %dma_start3A_5 = tpu.memref_slice %arg10[%min3A_4, %dma_start3A] : memref<32x128xi32, #tpu.memory_space<vmem>> -> memref<1x128xi32, #tpu.memory_space<vmem>>
    %dma_start3A_6 = tpu.memref_squeeze %dma_start3A_5 : memref<1x128xi32, #tpu.memory_space<vmem>> -> memref<128xi32, #tpu.memory_space<vmem>>
    %dma_start3A_7 = arith.constant 0 : i32
    %dma_start3A_8 = arith.constant 0 : i32
    %dma_start3A_9 = tpu.memref_slice %arg5[%dma_start3A_7, %dma_start3A_8] : memref<4096x128xf32, #tpu.memory_space<hbm>> -> memref<4096x128xf32, #tpu.memory_space<hbm>>
    tpu.enqueue_indirect_dma source(%dma_start3A_9 : memref<4096x128xf32, #tpu.memory_space<hbm>>) target(%arg12 : memref<128x128xf32, #tpu.memory_space<vmem>>) offsets(%dma_start3A_6 : memref<128xi32, #tpu.memory_space<vmem>>) semaphore(%arg14 : memref<!tpu.dma_semaphore, #tpu.memory_space<semaphore_mem>>)
    %scan3A = arith.constant 0 : i32
    %scan3A_10 = arith.constant 16 : i32
    %scan3A_11 = arith.addi %scan3A, %scan3A_10 : i32
    %scan3A_12 = arith.constant 1 : i32
    scf.for %scan3A_23 = %scan3A to %scan3A_11 step %scan3A_12  : i32 {
      %mul3A_24 = arith.constant 2 : i32
      %mul3A_25 = arith.muli %scan3A_23, %mul3A_24 : i32
      %add3A_26 = arith.constant 0 : i32
      %add3A_27 = arith.addi %add3A_26, %mul3A_25 : i32
      %add3A_28 = arith.constant 1 : i32
      %add3A_29 = arith.addi %add3A_27, %add3A_28 : i32
      %min3A_30 = arith.constant 31 : i32
      %min3A_31 = arith.minsi %add3A_29, %min3A_30 : i32
      %dma_start3A_32 = arith.constant 0 : i32
      %dma_start3A_33 = tpu.memref_slice %arg10[%min3A_31, %dma_start3A_32] : memref<32x128xi32, #tpu.memory_space<vmem>> -> memref<1x128xi32, #tpu.memory_space<vmem>>
      %dma_start3A_34 = tpu.memref_squeeze %dma_start3A_33 : memref<1x128xi32, #tpu.memory_space<vmem>> -> memref<128xi32, #tpu.memory_space<vmem>>
      %dma_start3A_35 = arith.constant 0 : i32
      %dma_start3A_36 = arith.constant 0 : i32
      %dma_start3A_37 = tpu.memref_slice %arg5[%dma_start3A_35, %dma_start3A_36] : memref<4096x128xf32, #tpu.memory_space<hbm>> -> memref<4096x128xf32, #tpu.memory_space<hbm>>
      tpu.enqueue_indirect_dma source(%dma_start3A_37 : memref<4096x128xf32, #tpu.memory_space<hbm>>) target(%arg13 : memref<128x128xf32, #tpu.memory_space<vmem>>) offsets(%dma_start3A_34 : memref<128xi32, #tpu.memory_space<vmem>>) semaphore(%arg15 : memref<!tpu.dma_semaphore, #tpu.memory_space<semaphore_mem>>)
      %min3A_38 = arith.constant 31 : i32
      %min3A_39 = arith.minsi %add3A_27, %min3A_38 : i32
      %dma_wait3A_40 = arith.constant 0 : i32
      %dma_wait3A_41 = tpu.memref_slice %arg10[%min3A_39, %dma_wait3A_40] : memref<32x128xi32, #tpu.memory_space<vmem>> -> memref<1x128xi32, #tpu.memory_space<vmem>>
      %dma_wait3A_42 = tpu.memref_squeeze %dma_wait3A_41 : memref<1x128xi32, #tpu.memory_space<vmem>> -> memref<128xi32, #tpu.memory_space<vmem>>
      %dma_wait3A_43 = arith.constant 0 : i32
      %dma_wait3A_44 = arith.constant 0 : i32
      %dma_wait3A_45 = tpu.memref_slice %arg5[%dma_wait3A_43, %dma_wait3A_44] : memref<4096x128xf32, #tpu.memory_space<hbm>> -> memref<4096x128xf32, #tpu.memory_space<hbm>>
      tpu.wait_indirect_dma semaphore(%arg14 : memref<!tpu.dma_semaphore, #tpu.memory_space<semaphore_mem>>) src(%dma_wait3A_45 : memref<4096x128xf32, #tpu.memory_space<hbm>>) dst(%arg12 : memref<128x128xf32, #tpu.memory_space<vmem>>)
      %scan3A_46 = arith.constant 0 : i32
      %scan3A_47 = arith.constant 128 : i32
      %scan3A_48 = arith.addi %scan3A_46, %scan3A_47 : i32
      %scan3A_49 = arith.constant 1 : i32
      scf.for %scan3A_78 = %scan3A_46 to %scan3A_48 step %scan3A_49  : i32 {
        %mul3A_79 = arith.constant 1 : i32
        %mul3A_80 = arith.muli %scan3A_78, %mul3A_79 : i32
        %add3A_81 = arith.constant 0 : i32
        %add3A_82 = arith.addi %add3A_81, %mul3A_80 : i32
        %mul3A_83 = arith.constant 128 : i32
        %mul3A_84 = arith.muli %add3A_27, %mul3A_83 : i32
        %add3A_85 = arith.addi %mul3A_84, %add3A_82 : i32
        %broadcast_in_dim3A = vector.broadcast %add3A_85 : i32 to vector<16xi32>
        %gather3A = tpu.vector_load_idx %arg11[%broadcast_in_dim3A] : memref<4096xf32, #tpu.memory_space<vmem>>[vector<16xi32>], vector<16xf32>,
        %get3A = arith.index_cast %add3A_82 : i32 to index
        %get3A_86 = arith.constant 0 : index
        %get3A_87 = tpu.vector_load %arg12[%get3A, %get3A_86] {strides = array<i32>} : memref<128x128xf32, #tpu.memory_space<vmem>>, vector<16xf32>,
        %mul3A_88 = arith.mulf %get3A_87, %gather3A : vector<16xf32>
        %swap3A = arith.index_cast %add3A_82 : i32 to index
        %swap3A_89 = arith.constant 0 : index
        %swap3A_90 = tpu.vector_load %arg12[%swap3A, %swap3A_89] {strides = array<i32>} : memref<128x128xf32, #tpu.memory_space<vmem>>, vector<16xf32>,
        tpu.vector_store %arg12[%swap3A, %swap3A_89], %mul3A_88 {strides = array<i32>} : memref<128x128xf32, #tpu.memory_space<vmem>>, vector<16xf32>,
        %get3A_91 = arith.index_cast %add3A_82 : i32 to index
        %get3A_92 = arith.constant 16 : index
        %get3A_93 = tpu.vector_load %arg12[%get3A_91, %get3A_92] {strides = array<i32>} : memref<128x128xf32, #tpu.memory_space<vmem>>, vector<16xf32>,
        %mul3A_94 = arith.mulf %get3A_93, %gather3A : vector<16xf32>
        %swap3A_95 = arith.index_cast %add3A_82 : i32 to index
        %swap3A_96 = arith.constant 16 : index
        %swap3A_97 = tpu.vector_load %arg12[%swap3A_95, %swap3A_96] {strides = array<i32>} : memref<128x128xf32, #tpu.memory_space<vmem>>, vector<16xf32>,
        tpu.vector_store %arg12[%swap3A_95, %swap3A_96], %mul3A_94 {strides = array<i32>} : memref<128x128xf32, #tpu.memory_space<vmem>>, vector<16xf32>,
        %get3A_98 = arith.index_cast %add3A_82 : i32 to index
        %get3A_99 = arith.constant 32 : index
        %get3A_100 = tpu.vector_load %arg12[%get3A_98, %get3A_99] {strides = array<i32>} : memref<128x128xf32, #tpu.memory_space<vmem>>, vector<16xf32>,
        %mul3A_101 = arith.mulf %get3A_100, %gather3A : vector<16xf32>
        %swap3A_102 = arith.index_cast %add3A_82 : i32 to index
        %swap3A_103 = arith.constant 32 : index
        %swap3A_104 = tpu.vector_load %arg12[%swap3A_102, %swap3A_103] {strides = array<i32>} : memref<128x128xf32, #tpu.memory_space<vmem>>, vector<16xf32>,
        tpu.vector_store %arg12[%swap3A_102, %swap3A_103], %mul3A_101 {strides = array<i32>} : memref<128x128xf32, #tpu.memory_space<vmem>>, vector<16xf32>,
        %get3A_105 = arith.index_cast %add3A_82 : i32 to index
        %get3A_106 = arith.constant 48 : index
        %get3A_107 = tpu.vector_load %arg12[%get3A_105, %get3A_106] {strides = array<i32>} : memref<128x128xf32, #tpu.memory_space<vmem>>, vector<16xf32>,
        %mul3A_108 = arith.mulf %get3A_107, %gather3A : vector<16xf32>
        %swap3A_109 = arith.index_cast %add3A_82 : i32 to index
        %swap3A_110 = arith.constant 48 : index
        %swap3A_111 = tpu.vector_load %arg12[%swap3A_109, %swap3A_110] {strides = array<i32>} : memref<128x128xf32, #tpu.memory_space<vmem>>, vector<16xf32>,
        tpu.vector_store %arg12[%swap3A_109, %swap3A_110], %mul3A_108 {strides = array<i32>} : memref<128x128xf32, #tpu.memory_space<vmem>>, vector<16xf32>,
        %get3A_112 = arith.index_cast %add3A_82 : i32 to index
        %get3A_113 = arith.constant 64 : index
        %get3A_114 = tpu.vector_load %arg12[%get3A_112, %get3A_113] {strides = array<i32>} : memref<128x128xf32, #tpu.memory_space<vmem>>, vector<16xf32>,
        %mul3A_115 = arith.mulf %get3A_114, %gather3A : vector<16xf32>
        %swap3A_116 = arith.index_cast %add3A_82 : i32 to index
        %swap3A_117 = arith.constant 64 : index
        %swap3A_118 = tpu.vector_load %arg12[%swap3A_116, %swap3A_117] {strides = array<i32>} : memref<128x128xf32, #tpu.memory_space<vmem>>, vector<16xf32>,
        tpu.vector_store %arg12[%swap3A_116, %swap3A_117], %mul3A_115 {strides = array<i32>} : memref<128x128xf32, #tpu.memory_space<vmem>>, vector<16xf32>,
        %get3A_119 = arith.index_cast %add3A_82 : i32 to index
        %get3A_120 = arith.constant 80 : index
        %get3A_121 = tpu.vector_load %arg12[%get3A_119, %get3A_120] {strides = array<i32>} : memref<128x128xf32, #tpu.memory_space<vmem>>, vector<16xf32>,
        %mul3A_122 = arith.mulf %get3A_121, %gather3A : vector<16xf32>
        %swap3A_123 = arith.index_cast %add3A_82 : i32 to index
        %swap3A_124 = arith.constant 80 : index
        %swap3A_125 = tpu.vector_load %arg12[%swap3A_123, %swap3A_124] {strides = array<i32>} : memref<128x128xf32, #tpu.memory_space<vmem>>, vector<16xf32>,
        tpu.vector_store %arg12[%swap3A_123, %swap3A_124], %mul3A_122 {strides = array<i32>} : memref<128x128xf32, #tpu.memory_space<vmem>>, vector<16xf32>,
        %get3A_126 = arith.index_cast %add3A_82 : i32 to index
        %get3A_127 = arith.constant 96 : index
        %get3A_128 = tpu.vector_load %arg12[%get3A_126, %get3A_127] {strides = array<i32>} : memref<128x128xf32, #tpu.memory_space<vmem>>, vector<16xf32>,
        %mul3A_129 = arith.mulf %get3A_128, %gather3A : vector<16xf32>
        %swap3A_130 = arith.index_cast %add3A_82 : i32 to index
        %swap3A_131 = arith.constant 96 : index
        %swap3A_132 = tpu.vector_load %arg12[%swap3A_130, %swap3A_131] {strides = array<i32>} : memref<128x128xf32, #tpu.memory_space<vmem>>, vector<16xf32>,
        tpu.vector_store %arg12[%swap3A_130, %swap3A_131], %mul3A_129 {strides = array<i32>} : memref<128x128xf32, #tpu.memory_space<vmem>>, vector<16xf32>,
        %get3A_133 = arith.index_cast %add3A_82 : i32 to index
        %get3A_134 = arith.constant 112 : index
        %get3A_135 = tpu.vector_load %arg12[%get3A_133, %get3A_134] {strides = array<i32>} : memref<128x128xf32, #tpu.memory_space<vmem>>, vector<16xf32>,
        %mul3A_136 = arith.mulf %get3A_135, %gather3A : vector<16xf32>
        %swap3A_137 = arith.index_cast %add3A_82 : i32 to index
        %swap3A_138 = arith.constant 112 : index
        %swap3A_139 = tpu.vector_load %arg12[%swap3A_137, %swap3A_138] {strides = array<i32>} : memref<128x128xf32, #tpu.memory_space<vmem>>, vector<16xf32>,
        tpu.vector_store %arg12[%swap3A_137, %swap3A_138], %mul3A_136 {strides = array<i32>} : memref<128x128xf32, #tpu.memory_space<vmem>>, vector<16xf32>,
      }
      %scan3A_50 = arith.constant 128 : i32
      "tpu.region"() ({
        %run_scoped3A = tpu.sem_alloc : memref<!tpu.dma_semaphore, #tpu.memory_space<semaphore_mem>>
        %dma_start3A_78 = arith.constant 0 : i32
        %dma_start3A_79 = tpu.memref_slice %arg9[%add3A_27, %dma_start3A_78] : memref<32x128xi32, #tpu.memory_space<vmem>> -> memref<1x128xi32, #tpu.memory_space<vmem>>
        %dma_start3A_80 = tpu.memref_squeeze %dma_start3A_79 : memref<1x128xi32, #tpu.memory_space<vmem>> -> memref<128xi32, #tpu.memory_space<vmem>>
        %dma_start3A_81 = arith.constant 0 : i32
        %dma_start3A_82 = arith.constant 0 : i32
        %dma_start3A_83 = tpu.memref_slice %arg8[%dma_start3A_81, %dma_start3A_82] : memref<4096x128xf32, #tpu.memory_space<vmem_shared>> -> memref<4096x128xf32, #tpu.memory_space<vmem_shared>>
        tpu.enqueue_indirect_dma source(%arg12 : memref<128x128xf32, #tpu.memory_space<vmem>>) target(%dma_start3A_83 : memref<4096x128xf32, #tpu.memory_space<vmem_shared>>) offsets(%dma_start3A_80 : memref<128xi32, #tpu.memory_space<vmem>>) semaphore(%run_scoped3A : memref<!tpu.dma_semaphore, #tpu.memory_space<semaphore_mem>>) {add = true}
        %dma_wait3A_84 = arith.constant 0 : i32
        %dma_wait3A_85 = tpu.memref_slice %arg9[%add3A_27, %dma_wait3A_84] : memref<32x128xi32, #tpu.memory_space<vmem>> -> memref<1x128xi32, #tpu.memory_space<vmem>>
        %dma_wait3A_86 = tpu.memref_squeeze %dma_wait3A_85 : memref<1x128xi32, #tpu.memory_space<vmem>> -> memref<128xi32, #tpu.memory_space<vmem>>
        %dma_wait3A_87 = arith.constant 0 : i32
        %dma_wait3A_88 = arith.constant 0 : i32
        %dma_wait3A_89 = tpu.memref_slice %arg8[%dma_wait3A_87, %dma_wait3A_88] : memref<4096x128xf32, #tpu.memory_space<vmem_shared>> -> memref<4096x128xf32, #tpu.memory_space<vmem_shared>>
        tpu.wait_indirect_dma semaphore(%run_scoped3A : memref<!tpu.dma_semaphore, #tpu.memory_space<semaphore_mem>>) src(%arg12 : memref<128x128xf32, #tpu.memory_space<vmem>>) dst(%dma_wait3A_89 : memref<4096x128xf32, #tpu.memory_space<vmem_shared>>)
        tpu.yield
      }) : () -> ()
      %add3A_51 = arith.constant 2 : i32
      %add3A_52 = arith.addi %add3A_27, %add3A_51 : i32
      %min3A_53 = arith.constant 31 : i32
      %min3A_54 = arith.minsi %add3A_52, %min3A_53 : i32
      %dma_start3A_55 = arith.constant 0 : i32
      %dma_start3A_56 = tpu.memref_slice %arg10[%min3A_54, %dma_start3A_55] : memref<32x128xi32, #tpu.memory_space<vmem>> -> memref<1x128xi32, #tpu.memory_space<vmem>>
      %dma_start3A_57 = tpu.memref_squeeze %dma_start3A_56 : memref<1x128xi32, #tpu.memory_space<vmem>> -> memref<128xi32, #tpu.memory_space<vmem>>
      %dma_start3A_58 = arith.constant 0 : i32
      %dma_start3A_59 = arith.constant 0 : i32
      %dma_start3A_60 = tpu.memref_slice %arg5[%dma_start3A_58, %dma_start3A_59] : memref<4096x128xf32, #tpu.memory_space<hbm>> -> memref<4096x128xf32, #tpu.memory_space<hbm>>
      tpu.enqueue_indirect_dma source(%dma_start3A_60 : memref<4096x128xf32, #tpu.memory_space<hbm>>) target(%arg12 : memref<128x128xf32, #tpu.memory_space<vmem>>) offsets(%dma_start3A_57 : memref<128xi32, #tpu.memory_space<vmem>>) semaphore(%arg14 : memref<!tpu.dma_semaphore, #tpu.memory_space<semaphore_mem>>)
      %add3A_61 = arith.constant 1 : i32
      %add3A_62 = arith.addi %add3A_27, %add3A_61 : i32
      %min3A_63 = arith.constant 31 : i32
      %min3A_64 = arith.minsi %add3A_62, %min3A_63 : i32
      %dma_wait3A_65 = arith.constant 0 : i32
      %dma_wait3A_66 = tpu.memref_slice %arg10[%min3A_64, %dma_wait3A_65] : memref<32x128xi32, #tpu.memory_space<vmem>> -> memref<1x128xi32, #tpu.memory_space<vmem>>
      %dma_wait3A_67 = tpu.memref_squeeze %dma_wait3A_66 : memref<1x128xi32, #tpu.memory_space<vmem>> -> memref<128xi32, #tpu.memory_space<vmem>>
      %dma_wait3A_68 = arith.constant 0 : i32
      %dma_wait3A_69 = arith.constant 0 : i32
      %dma_wait3A_70 = tpu.memref_slice %arg5[%dma_wait3A_68, %dma_wait3A_69] : memref<4096x128xf32, #tpu.memory_space<hbm>> -> memref<4096x128xf32, #tpu.memory_space<hbm>>
      tpu.wait_indirect_dma semaphore(%arg15 : memref<!tpu.dma_semaphore, #tpu.memory_space<semaphore_mem>>) src(%dma_wait3A_70 : memref<4096x128xf32, #tpu.memory_space<hbm>>) dst(%arg13 : memref<128x128xf32, #tpu.memory_space<vmem>>)
      %add3A_71 = arith.constant 1 : i32
      %add3A_72 = arith.addi %add3A_27, %add3A_71 : i32
      %scan3A_73 = arith.constant 0 : i32
      %scan3A_74 = arith.constant 128 : i32
      %scan3A_75 = arith.addi %scan3A_73, %scan3A_74 : i32
      %scan3A_76 = arith.constant 1 : i32
      scf.for %scan3A_78 = %scan3A_73 to %scan3A_75 step %scan3A_76  : i32 {
        %mul3A_79 = arith.constant 1 : i32
        %mul3A_80 = arith.muli %scan3A_78, %mul3A_79 : i32
        %add3A_81 = arith.constant 0 : i32
        %add3A_82 = arith.addi %add3A_81, %mul3A_80 : i32
        %mul3A_83 = arith.constant 128 : i32
        %mul3A_84 = arith.muli %add3A_72, %mul3A_83 : i32
        %add3A_85 = arith.addi %mul3A_84, %add3A_82 : i32
        %broadcast_in_dim3A = vector.broadcast %add3A_85 : i32 to vector<16xi32>
        %gather3A = tpu.vector_load_idx %arg11[%broadcast_in_dim3A] : memref<4096xf32, #tpu.memory_space<vmem>>[vector<16xi32>], vector<16xf32>,
        %get3A = arith.index_cast %add3A_82 : i32 to index
        %get3A_86 = arith.constant 0 : index
        %get3A_87 = tpu.vector_load %arg13[%get3A, %get3A_86] {strides = array<i32>} : memref<128x128xf32, #tpu.memory_space<vmem>>, vector<16xf32>,
        %mul3A_88 = arith.mulf %get3A_87, %gather3A : vector<16xf32>
        %swap3A = arith.index_cast %add3A_82 : i32 to index
        %swap3A_89 = arith.constant 0 : index
        %swap3A_90 = tpu.vector_load %arg13[%swap3A, %swap3A_89] {strides = array<i32>} : memref<128x128xf32, #tpu.memory_space<vmem>>, vector<16xf32>,
        tpu.vector_store %arg13[%swap3A, %swap3A_89], %mul3A_88 {strides = array<i32>} : memref<128x128xf32, #tpu.memory_space<vmem>>, vector<16xf32>,
        %get3A_91 = arith.index_cast %add3A_82 : i32 to index
        %get3A_92 = arith.constant 16 : index
        %get3A_93 = tpu.vector_load %arg13[%get3A_91, %get3A_92] {strides = array<i32>} : memref<128x128xf32, #tpu.memory_space<vmem>>, vector<16xf32>,
        %mul3A_94 = arith.mulf %get3A_93, %gather3A : vector<16xf32>
        %swap3A_95 = arith.index_cast %add3A_82 : i32 to index
        %swap3A_96 = arith.constant 16 : index
        %swap3A_97 = tpu.vector_load %arg13[%swap3A_95, %swap3A_96] {strides = array<i32>} : memref<128x128xf32, #tpu.memory_space<vmem>>, vector<16xf32>,
        tpu.vector_store %arg13[%swap3A_95, %swap3A_96], %mul3A_94 {strides = array<i32>} : memref<128x128xf32, #tpu.memory_space<vmem>>, vector<16xf32>,
        %get3A_98 = arith.index_cast %add3A_82 : i32 to index
        %get3A_99 = arith.constant 32 : index
        %get3A_100 = tpu.vector_load %arg13[%get3A_98, %get3A_99] {strides = array<i32>} : memref<128x128xf32, #tpu.memory_space<vmem>>, vector<16xf32>,
        %mul3A_101 = arith.mulf %get3A_100, %gather3A : vector<16xf32>
        %swap3A_102 = arith.index_cast %add3A_82 : i32 to index
        %swap3A_103 = arith.constant 32 : index
        %swap3A_104 = tpu.vector_load %arg13[%swap3A_102, %swap3A_103] {strides = array<i32>} : memref<128x128xf32, #tpu.memory_space<vmem>>, vector<16xf32>,
        tpu.vector_store %arg13[%swap3A_102, %swap3A_103], %mul3A_101 {strides = array<i32>} : memref<128x128xf32, #tpu.memory_space<vmem>>, vector<16xf32>,
        %get3A_105 = arith.index_cast %add3A_82 : i32 to index
        %get3A_106 = arith.constant 48 : index
        %get3A_107 = tpu.vector_load %arg13[%get3A_105, %get3A_106] {strides = array<i32>} : memref<128x128xf32, #tpu.memory_space<vmem>>, vector<16xf32>,
        %mul3A_108 = arith.mulf %get3A_107, %gather3A : vector<16xf32>
        %swap3A_109 = arith.index_cast %add3A_82 : i32 to index
        %swap3A_110 = arith.constant 48 : index
        %swap3A_111 = tpu.vector_load %arg13[%swap3A_109, %swap3A_110] {strides = array<i32>} : memref<128x128xf32, #tpu.memory_space<vmem>>, vector<16xf32>,
        tpu.vector_store %arg13[%swap3A_109, %swap3A_110], %mul3A_108 {strides = array<i32>} : memref<128x128xf32, #tpu.memory_space<vmem>>, vector<16xf32>,
        %get3A_112 = arith.index_cast %add3A_82 : i32 to index
        %get3A_113 = arith.constant 64 : index
        %get3A_114 = tpu.vector_load %arg13[%get3A_112, %get3A_113] {strides = array<i32>} : memref<128x128xf32, #tpu.memory_space<vmem>>, vector<16xf32>,
        %mul3A_115 = arith.mulf %get3A_114, %gather3A : vector<16xf32>
        %swap3A_116 = arith.index_cast %add3A_82 : i32 to index
        %swap3A_117 = arith.constant 64 : index
        %swap3A_118 = tpu.vector_load %arg13[%swap3A_116, %swap3A_117] {strides = array<i32>} : memref<128x128xf32, #tpu.memory_space<vmem>>, vector<16xf32>,
        tpu.vector_store %arg13[%swap3A_116, %swap3A_117], %mul3A_115 {strides = array<i32>} : memref<128x128xf32, #tpu.memory_space<vmem>>, vector<16xf32>,
        %get3A_119 = arith.index_cast %add3A_82 : i32 to index
        %get3A_120 = arith.constant 80 : index
        %get3A_121 = tpu.vector_load %arg13[%get3A_119, %get3A_120] {strides = array<i32>} : memref<128x128xf32, #tpu.memory_space<vmem>>, vector<16xf32>,
        %mul3A_122 = arith.mulf %get3A_121, %gather3A : vector<16xf32>
        %swap3A_123 = arith.index_cast %add3A_82 : i32 to index
        %swap3A_124 = arith.constant 80 : index
        %swap3A_125 = tpu.vector_load %arg13[%swap3A_123, %swap3A_124] {strides = array<i32>} : memref<128x128xf32, #tpu.memory_space<vmem>>, vector<16xf32>,
        tpu.vector_store %arg13[%swap3A_123, %swap3A_124], %mul3A_122 {strides = array<i32>} : memref<128x128xf32, #tpu.memory_space<vmem>>, vector<16xf32>,
        %get3A_126 = arith.index_cast %add3A_82 : i32 to index
        %get3A_127 = arith.constant 96 : index
        %get3A_128 = tpu.vector_load %arg13[%get3A_126, %get3A_127] {strides = array<i32>} : memref<128x128xf32, #tpu.memory_space<vmem>>, vector<16xf32>,
        %mul3A_129 = arith.mulf %get3A_128, %gather3A : vector<16xf32>
        %swap3A_130 = arith.index_cast %add3A_82 : i32 to index
        %swap3A_131 = arith.constant 96 : index
        %swap3A_132 = tpu.vector_load %arg13[%swap3A_130, %swap3A_131] {strides = array<i32>} : memref<128x128xf32, #tpu.memory_space<vmem>>, vector<16xf32>,
        tpu.vector_store %arg13[%swap3A_130, %swap3A_131], %mul3A_129 {strides = array<i32>} : memref<128x128xf32, #tpu.memory_space<vmem>>, vector<16xf32>,
        %get3A_133 = arith.index_cast %add3A_82 : i32 to index
        %get3A_134 = arith.constant 112 : index
        %get3A_135 = tpu.vector_load %arg13[%get3A_133, %get3A_134] {strides = array<i32>} : memref<128x128xf32, #tpu.memory_space<vmem>>, vector<16xf32>,
        %mul3A_136 = arith.mulf %get3A_135, %gather3A : vector<16xf32>
        %swap3A_137 = arith.index_cast %add3A_82 : i32 to index
        %swap3A_138 = arith.constant 112 : index
        %swap3A_139 = tpu.vector_load %arg13[%swap3A_137, %swap3A_138] {strides = array<i32>} : memref<128x128xf32, #tpu.memory_space<vmem>>, vector<16xf32>,
        tpu.vector_store %arg13[%swap3A_137, %swap3A_138], %mul3A_136 {strides = array<i32>} : memref<128x128xf32, #tpu.memory_space<vmem>>, vector<16xf32>,
      }
      %scan3A_77 = arith.constant 128 : i32
      "tpu.region"() ({
        %run_scoped3A = tpu.sem_alloc : memref<!tpu.dma_semaphore, #tpu.memory_space<semaphore_mem>>
        %dma_start3A_78 = arith.constant 0 : i32
        %dma_start3A_79 = tpu.memref_slice %arg9[%add3A_72, %dma_start3A_78] : memref<32x128xi32, #tpu.memory_space<vmem>> -> memref<1x128xi32, #tpu.memory_space<vmem>>
        %dma_start3A_80 = tpu.memref_squeeze %dma_start3A_79 : memref<1x128xi32, #tpu.memory_space<vmem>> -> memref<128xi32, #tpu.memory_space<vmem>>
        %dma_start3A_81 = arith.constant 0 : i32
        %dma_start3A_82 = arith.constant 0 : i32
        %dma_start3A_83 = tpu.memref_slice %arg8[%dma_start3A_81, %dma_start3A_82] : memref<4096x128xf32, #tpu.memory_space<vmem_shared>> -> memref<4096x128xf32, #tpu.memory_space<vmem_shared>>
        tpu.enqueue_indirect_dma source(%arg13 : memref<128x128xf32, #tpu.memory_space<vmem>>) target(%dma_start3A_83 : memref<4096x128xf32, #tpu.memory_space<vmem_shared>>) offsets(%dma_start3A_80 : memref<128xi32, #tpu.memory_space<vmem>>) semaphore(%run_scoped3A : memref<!tpu.dma_semaphore, #tpu.memory_space<semaphore_mem>>) {add = true}
        %dma_wait3A_84 = arith.constant 0 : i32
        %dma_wait3A_85 = tpu.memref_slice %arg9[%add3A_72, %dma_wait3A_84] : memref<32x128xi32, #tpu.memory_space<vmem>> -> memref<1x128xi32, #tpu.memory_space<vmem>>
        %dma_wait3A_86 = tpu.memref_squeeze %dma_wait3A_85 : memref<1x128xi32, #tpu.memory_space<vmem>> -> memref<128xi32, #tpu.memory_space<vmem>>
        %dma_wait3A_87 = arith.constant 0 : i32
        %dma_wait3A_88 = arith.constant 0 : i32
        %dma_wait3A_89 = tpu.memref_slice %arg8[%dma_wait3A_87, %dma_wait3A_88] : memref<4096x128xf32, #tpu.memory_space<vmem_shared>> -> memref<4096x128xf32, #tpu.memory_space<vmem_shared>>
        tpu.wait_indirect_dma semaphore(%run_scoped3A : memref<!tpu.dma_semaphore, #tpu.memory_space<semaphore_mem>>) src(%arg13 : memref<128x128xf32, #tpu.memory_space<vmem>>) dst(%dma_wait3A_89 : memref<4096x128xf32, #tpu.memory_space<vmem_shared>>)
        tpu.yield
      }) : () -> ()
    }
    %scan3A_13 = arith.constant 16 : i32
    %min3A_14 = arith.constant 32 : i32
    %min3A_15 = arith.constant 31 : i32
    %min3A_16 = arith.minsi %min3A_14, %min3A_15 : i32
    %dma_wait3A = arith.constant 0 : i32
    %dma_wait3A_17 = tpu.memref_slice %arg10[%min3A_16, %dma_wait3A] : memref<32x128xi32, #tpu.memory_space<vmem>> -> memref<1x128xi32, #tpu.memory_space<vmem>>
    %dma_wait3A_18 = tpu.memref_squeeze %dma_wait3A_17 : memref<1x128xi32, #tpu.memory_space<vmem>> -> memref<128xi32, #tpu.memory_space<vmem>>
    %dma_wait3A_19 = arith.constant 0 : i32
    %dma_wait3A_20 = arith.constant 0 : i32
    %dma_wait3A_21 = tpu.memref_slice %arg5[%dma_wait3A_19, %dma_wait3A_20] : memref<4096x128xf32, #tpu.memory_space<hbm>> -> memref<4096x128xf32, #tpu.memory_space<hbm>>
    tpu.wait_indirect_dma semaphore(%arg14 : memref<!tpu.dma_semaphore, #tpu.memory_space<semaphore_mem>>) src(%dma_wait3A_21 : memref<4096x128xf32, #tpu.memory_space<hbm>>) dst(%arg12 : memref<128x128xf32, #tpu.memory_space<vmem>>)
    %barrier3A_22 = arith.constant 0 : index
    tpu.barrier barrier_id(%barrier3A_22)
    "tpu.region"() ({
      %run_scoped3A = tpu.sem_alloc : memref<!tpu.dma_semaphore, #tpu.memory_space<semaphore_mem>>
      %dma_start3A_23 = arith.constant 0 : i32
      %dma_start3A_24 = tpu.memref_slice %arg7[%arg0, %mul3A_2, %dma_start3A_23] : memref<2x4096x128xf32, #tpu.memory_space<hbm>> -> memref<1x256x128xf32, #tpu.memory_space<hbm>>
      %dma_start3A_25 = tpu.memref_squeeze %dma_start3A_24 : memref<1x256x128xf32, #tpu.memory_space<hbm>> -> memref<256x128xf32, #tpu.memory_space<hbm>>
      %dma_start3A_26 = arith.constant 0 : i32
      %dma_start3A_27 = tpu.memref_slice %arg8[%mul3A_2, %dma_start3A_26] : memref<4096x128xf32, #tpu.memory_space<vmem_shared>> -> memref<256x128xf32, #tpu.memory_space<vmem_shared>>
      tpu.enqueue_dma source(%dma_start3A_27 : memref<256x128xf32, #tpu.memory_space<vmem_shared>>) target(%dma_start3A_25 : memref<256x128xf32, #tpu.memory_space<hbm>>) target_semaphore(%run_scoped3A : memref<!tpu.dma_semaphore, #tpu.memory_space<semaphore_mem>>)
      %dma_wait3A_28 = arith.constant 0 : i32
      %dma_wait3A_29 = tpu.memref_slice %arg7[%arg0, %mul3A_2, %dma_wait3A_28] : memref<2x4096x128xf32, #tpu.memory_space<hbm>> -> memref<1x256x128xf32, #tpu.memory_space<hbm>>
      %dma_wait3A_30 = tpu.memref_squeeze %dma_wait3A_29 : memref<1x256x128xf32, #tpu.memory_space<hbm>> -> memref<256x128xf32, #tpu.memory_space<hbm>>
      %dma_wait3A_31 = arith.constant 0 : i32
      %dma_wait3A_32 = tpu.memref_slice %arg8[%mul3A_2, %dma_wait3A_31] : memref<4096x128xf32, #tpu.memory_space<vmem_shared>> -> memref<256x128xf32, #tpu.memory_space<vmem_shared>>
      tpu.wait_dma2 semaphore(%run_scoped3A : memref<!tpu.dma_semaphore, #tpu.memory_space<semaphore_mem>>) src(%dma_wait3A_32 : memref<256x128xf32, #tpu.memory_space<vmem_shared>>) dst(%dma_wait3A_30 : memref<256x128xf32, #tpu.memory_space<hbm>>)
      tpu.yield
    }) : () -> ()
    return
  }
}

#map = affine_map<(d0, d1) -> (0, 0, 0)>
#map1 = affine_map<(d0, d1) -> (0, 0)>
module attributes {stable_mosaic.version = 14 : i64} {
  func.func @k(%arg0: i32, %arg1: i32, %arg2: memref<32x32x128xi32, #tpu.memory_space<hbm>>, %arg3: memref<32x32x128xi32, #tpu.memory_space<hbm>>, %arg4: memref<32x4096xf32, #tpu.memory_space<hbm>>, %arg5: memref<4096x128xf32, #tpu.memory_space<hbm>>, %arg6: memref<4096x128xf32, #tpu.memory_space<hbm>>, %arg7: memref<2x4096x128xf32, #tpu.memory_space<hbm>>, %arg8: memref<4096x128xf32, #tpu.memory_space<vmem_shared>>, %arg9: memref<32x128xi32, #tpu.memory_space<vmem>>, %arg10: memref<32x128xi32, #tpu.memory_space<vmem>>, %arg11: memref<4096xf32, #tpu.memory_space<vmem>>, %arg12: memref<128x128xf32, #tpu.memory_space<vmem>>, %arg13: memref<128x128xf32, #tpu.memory_space<vmem>>, %arg14: memref<!tpu.dma_semaphore, #tpu.memory_space<semaphore_mem>>, %arg15: memref<!tpu.dma_semaphore, #tpu.memory_space<semaphore_mem>>) attributes {dimension_semantics = [#tpu.dimension_semantics<core_parallel>, #tpu.dimension_semantics<subcore_parallel>], iteration_bounds = array<i64: 2, 16>, scalar_prefetch = 0 : i64, scratch_operands = 8 : i64, tpu.core_type = #tpu.core_type<sc_vector_subcore>, window_params = [{transform_indices = #map}, {transform_indices = #map}, {transform_indices = #map1}, {transform_indices = #map1}, {transform_indices = #map1}, {transform_indices = #map}]} {
    %mul3A = arith.constant 16 : i32
    %mul3A_0 = arith.muli %arg0, %mul3A : i32
    %add3A = arith.addi %mul3A_0, %arg1 : i32
    %mul3A_1 = arith.constant 256 : i32
    %mul3A_2 = arith.muli %arg1, %mul3A_1 : i32
    "tpu.region"() ({
      %run_scoped3A = tpu.sem_alloc : memref<!tpu.dma_semaphore, #tpu.memory_space<semaphore_mem>>
      %dma_start3A_23 = arith.constant 0 : i32
      %dma_start3A_24 = tpu.memref_slice %arg8[%mul3A_2, %dma_start3A_23] : memref<4096x128xf32, #tpu.memory_space<vmem_shared>> -> memref<256x128xf32, #tpu.memory_space<vmem_shared>>
      %dma_start3A_25 = arith.constant 0 : i32
      %dma_start3A_26 = tpu.memref_slice %arg6[%mul3A_2, %dma_start3A_25] : memref<4096x128xf32, #tpu.memory_space<hbm>> -> memref<256x128xf32, #tpu.memory_space<hbm>>
      tpu.enqueue_dma source(%dma_start3A_26 : memref<256x128xf32, #tpu.memory_space<hbm>>) target(%dma_start3A_24 : memref<256x128xf32, #tpu.memory_space<vmem_shared>>) target_semaphore(%run_scoped3A : memref<!tpu.dma_semaphore, #tpu.memory_space<semaphore_mem>>)
      %dma_wait3A_27 = arith.constant 0 : i32
      %dma_wait3A_28 = tpu.memref_slice %arg8[%mul3A_2, %dma_wait3A_27] : memref<4096x128xf32, #tpu.memory_space<vmem_shared>> -> memref<256x128xf32, #tpu.memory_space<vmem_shared>>
      %dma_wait3A_29 = arith.constant 0 : i32
      %dma_wait3A_30 = tpu.memref_slice %arg6[%mul3A_2, %dma_wait3A_29] : memref<4096x128xf32, #tpu.memory_space<hbm>> -> memref<256x128xf32, #tpu.memory_space<hbm>>
      tpu.wait_dma2 semaphore(%run_scoped3A : memref<!tpu.dma_semaphore, #tpu.memory_space<semaphore_mem>>) src(%dma_wait3A_30 : memref<256x128xf32, #tpu.memory_space<hbm>>) dst(%dma_wait3A_28 : memref<256x128xf32, #tpu.memory_space<vmem_shared>>)
      tpu.yield
    }) : () -> ()
    "tpu.region"() ({
      %run_scoped3A = tpu.sem_alloc : memref<!tpu.dma_semaphore, #tpu.memory_space<semaphore_mem>>
      %dma_start3A_23 = arith.constant 0 : i32
      %dma_start3A_24 = arith.constant 0 : i32
      %dma_start3A_25 = tpu.memref_slice %arg2[%add3A, %dma_start3A_23, %dma_start3A_24] : memref<32x32x128xi32, #tpu.memory_space<hbm>> -> memref<1x32x128xi32, #tpu.memory_space<hbm>>
      %dma_start3A_26 = tpu.memref_squeeze %dma_start3A_25 : memref<1x32x128xi32, #tpu.memory_space<hbm>> -> memref<32x128xi32, #tpu.memory_space<hbm>>
      %dma_start3A_27 = arith.constant 0 : i32
      %dma_start3A_28 = arith.constant 0 : i32
      %dma_start3A_29 = tpu.memref_slice %arg2[%add3A, %dma_start3A_27, %dma_start3A_28] : memref<32x32x128xi32, #tpu.memory_space<hbm>> -> memref<1x32x128xi32, #tpu.memory_space<hbm>>
      %dma_start3A_30 = tpu.memref_squeeze %dma_start3A_29 : memref<1x32x128xi32, #tpu.memory_space<hbm>> -> memref<32x128xi32, #tpu.memory_space<hbm>>
      tpu.enqueue_dma source(%dma_start3A_30 : memref<32x128xi32, #tpu.memory_space<hbm>>) target(%arg9 : memref<32x128xi32, #tpu.memory_space<vmem>>) target_semaphore(%run_scoped3A : memref<!tpu.dma_semaphore, #tpu.memory_space<semaphore_mem>>)
      %dma_wait3A_31 = arith.constant 0 : i32
      %dma_wait3A_32 = arith.constant 0 : i32
      %dma_wait3A_33 = tpu.memref_slice %arg2[%add3A, %dma_wait3A_31, %dma_wait3A_32] : memref<32x32x128xi32, #tpu.memory_space<hbm>> -> memref<1x32x128xi32, #tpu.memory_space<hbm>>
      %dma_wait3A_34 = tpu.memref_squeeze %dma_wait3A_33 : memref<1x32x128xi32, #tpu.memory_space<hbm>> -> memref<32x128xi32, #tpu.memory_space<hbm>>
      %dma_wait3A_35 = arith.constant 0 : i32
      %dma_wait3A_36 = arith.constant 0 : i32
      %dma_wait3A_37 = tpu.memref_slice %arg2[%add3A, %dma_wait3A_35, %dma_wait3A_36] : memref<32x32x128xi32, #tpu.memory_space<hbm>> -> memref<1x32x128xi32, #tpu.memory_space<hbm>>
      %dma_wait3A_38 = tpu.memref_squeeze %dma_wait3A_37 : memref<1x32x128xi32, #tpu.memory_space<hbm>> -> memref<32x128xi32, #tpu.memory_space<hbm>>
      tpu.wait_dma2 semaphore(%run_scoped3A : memref<!tpu.dma_semaphore, #tpu.memory_space<semaphore_mem>>) src(%dma_wait3A_38 : memref<32x128xi32, #tpu.memory_space<hbm>>) dst(%arg9 : memref<32x128xi32, #tpu.memory_space<vmem>>)
      tpu.yield
    }) : () -> ()
    "tpu.region"() ({
      %run_scoped3A = tpu.sem_alloc : memref<!tpu.dma_semaphore, #tpu.memory_space<semaphore_mem>>
      %dma_start3A_23 = arith.constant 0 : i32
      %dma_start3A_24 = arith.constant 0 : i32
      %dma_start3A_25 = tpu.memref_slice %arg3[%add3A, %dma_start3A_23, %dma_start3A_24] : memref<32x32x128xi32, #tpu.memory_space<hbm>> -> memref<1x32x128xi32, #tpu.memory_space<hbm>>
      %dma_start3A_26 = tpu.memref_squeeze %dma_start3A_25 : memref<1x32x128xi32, #tpu.memory_space<hbm>> -> memref<32x128xi32, #tpu.memory_space<hbm>>
      %dma_start3A_27 = arith.constant 0 : i32
      %dma_start3A_28 = arith.constant 0 : i32
      %dma_start3A_29 = tpu.memref_slice %arg3[%add3A, %dma_start3A_27, %dma_start3A_28] : memref<32x32x128xi32, #tpu.memory_space<hbm>> -> memref<1x32x128xi32, #tpu.memory_space<hbm>>
      %dma_start3A_30 = tpu.memref_squeeze %dma_start3A_29 : memref<1x32x128xi32, #tpu.memory_space<hbm>> -> memref<32x128xi32, #tpu.memory_space<hbm>>
      tpu.enqueue_dma source(%dma_start3A_30 : memref<32x128xi32, #tpu.memory_space<hbm>>) target(%arg10 : memref<32x128xi32, #tpu.memory_space<vmem>>) target_semaphore(%run_scoped3A : memref<!tpu.dma_semaphore, #tpu.memory_space<semaphore_mem>>)
      %dma_wait3A_31 = arith.constant 0 : i32
      %dma_wait3A_32 = arith.constant 0 : i32
      %dma_wait3A_33 = tpu.memref_slice %arg3[%add3A, %dma_wait3A_31, %dma_wait3A_32] : memref<32x32x128xi32, #tpu.memory_space<hbm>> -> memref<1x32x128xi32, #tpu.memory_space<hbm>>
      %dma_wait3A_34 = tpu.memref_squeeze %dma_wait3A_33 : memref<1x32x128xi32, #tpu.memory_space<hbm>> -> memref<32x128xi32, #tpu.memory_space<hbm>>
      %dma_wait3A_35 = arith.constant 0 : i32
      %dma_wait3A_36 = arith.constant 0 : i32
      %dma_wait3A_37 = tpu.memref_slice %arg3[%add3A, %dma_wait3A_35, %dma_wait3A_36] : memref<32x32x128xi32, #tpu.memory_space<hbm>> -> memref<1x32x128xi32, #tpu.memory_space<hbm>>
      %dma_wait3A_38 = tpu.memref_squeeze %dma_wait3A_37 : memref<1x32x128xi32, #tpu.memory_space<hbm>> -> memref<32x128xi32, #tpu.memory_space<hbm>>
      tpu.wait_dma2 semaphore(%run_scoped3A : memref<!tpu.dma_semaphore, #tpu.memory_space<semaphore_mem>>) src(%dma_wait3A_38 : memref<32x128xi32, #tpu.memory_space<hbm>>) dst(%arg10 : memref<32x128xi32, #tpu.memory_space<vmem>>)
      tpu.yield
    }) : () -> ()
    "tpu.region"() ({
      %run_scoped3A = tpu.sem_alloc : memref<!tpu.dma_semaphore, #tpu.memory_space<semaphore_mem>>
      %dma_start3A_23 = arith.constant 0 : i32
      %dma_start3A_24 = tpu.memref_slice %arg4[%add3A, %dma_start3A_23] : memref<32x4096xf32, #tpu.memory_space<hbm>> -> memref<1x4096xf32, #tpu.memory_space<hbm>>
      %dma_start3A_25 = tpu.memref_squeeze %dma_start3A_24 : memref<1x4096xf32, #tpu.memory_space<hbm>> -> memref<4096xf32, #tpu.memory_space<hbm>>
      %dma_start3A_26 = arith.constant 0 : i32
      %dma_start3A_27 = tpu.memref_slice %arg4[%add3A, %dma_start3A_26] : memref<32x4096xf32, #tpu.memory_space<hbm>> -> memref<1x4096xf32, #tpu.memory_space<hbm>>
      %dma_start3A_28 = tpu.memref_squeeze %dma_start3A_27 : memref<1x4096xf32, #tpu.memory_space<hbm>> -> memref<4096xf32, #tpu.memory_space<hbm>>
      tpu.enqueue_dma source(%dma_start3A_28 : memref<4096xf32, #tpu.memory_space<hbm>>) target(%arg11 : memref<4096xf32, #tpu.memory_space<vmem>>) target_semaphore(%run_scoped3A : memref<!tpu.dma_semaphore, #tpu.memory_space<semaphore_mem>>)
      %dma_wait3A_29 = arith.constant 0 : i32
      %dma_wait3A_30 = tpu.memref_slice %arg4[%add3A, %dma_wait3A_29] : memref<32x4096xf32, #tpu.memory_space<hbm>> -> memref<1x4096xf32, #tpu.memory_space<hbm>>
      %dma_wait3A_31 = tpu.memref_squeeze %dma_wait3A_30 : memref<1x4096xf32, #tpu.memory_space<hbm>> -> memref<4096xf32, #tpu.memory_space<hbm>>
      %dma_wait3A_32 = arith.constant 0 : i32
      %dma_wait3A_33 = tpu.memref_slice %arg4[%add3A, %dma_wait3A_32] : memref<32x4096xf32, #tpu.memory_space<hbm>> -> memref<1x4096xf32, #tpu.memory_space<hbm>>
      %dma_wait3A_34 = tpu.memref_squeeze %dma_wait3A_33 : memref<1x4096xf32, #tpu.memory_space<hbm>> -> memref<4096xf32, #tpu.memory_space<hbm>>
      tpu.wait_dma2 semaphore(%run_scoped3A : memref<!tpu.dma_semaphore, #tpu.memory_space<semaphore_mem>>) src(%dma_wait3A_34 : memref<4096xf32, #tpu.memory_space<hbm>>) dst(%arg11 : memref<4096xf32, #tpu.memory_space<vmem>>)
      tpu.yield
    }) : () -> ()
    %barrier3A = arith.constant 0 : index
    tpu.barrier barrier_id(%barrier3A)
    %min3A = arith.constant 0 : i32
    %min3A_3 = arith.constant 31 : i32
    %min3A_4 = arith.minsi %min3A, %min3A_3 : i32
    %dma_start3A = arith.constant 0 : i32
    %dma_start3A_5 = tpu.memref_slice %arg10[%min3A_4, %dma_start3A] : memref<32x128xi32, #tpu.memory_space<vmem>> -> memref<1x128xi32, #tpu.memory_space<vmem>>
    %dma_start3A_6 = tpu.memref_squeeze %dma_start3A_5 : memref<1x128xi32, #tpu.memory_space<vmem>> -> memref<128xi32, #tpu.memory_space<vmem>>
    %dma_start3A_7 = arith.constant 0 : i32
    %dma_start3A_8 = arith.constant 0 : i32
    %dma_start3A_9 = tpu.memref_slice %arg5[%dma_start3A_7, %dma_start3A_8] : memref<4096x128xf32, #tpu.memory_space<hbm>> -> memref<4096x128xf32, #tpu.memory_space<hbm>>
    tpu.enqueue_indirect_dma source(%dma_start3A_9 : memref<4096x128xf32, #tpu.memory_space<hbm>>) target(%arg12 : memref<128x128xf32, #tpu.memory_space<vmem>>) offsets(%dma_start3A_6 : memref<128xi32, #tpu.memory_space<vmem>>) semaphore(%arg14 : memref<!tpu.dma_semaphore, #tpu.memory_space<semaphore_mem>>)
    %scan3A = arith.constant 0 : i32
    %scan3A_10 = arith.constant 16 : i32
    %scan3A_11 = arith.addi %scan3A, %scan3A_10 : i32
    %scan3A_12 = arith.constant 1 : i32
    scf.for %scan3A_23 = %scan3A to %scan3A_11 step %scan3A_12  : i32 {
      %mul3A_24 = arith.constant 2 : i32
      %mul3A_25 = arith.muli %scan3A_23, %mul3A_24 : i32
      %add3A_26 = arith.constant 0 : i32
      %add3A_27 = arith.addi %add3A_26, %mul3A_25 : i32
      %add3A_28 = arith.constant 1 : i32
      %add3A_29 = arith.addi %add3A_27, %add3A_28 : i32
      %min3A_30 = arith.constant 31 : i32
      %min3A_31 = arith.minsi %add3A_29, %min3A_30 : i32
      %dma_start3A_32 = arith.constant 0 : i32
      %dma_start3A_33 = tpu.memref_slice %arg10[%min3A_31, %dma_start3A_32] : memref<32x128xi32, #tpu.memory_space<vmem>> -> memref<1x128xi32, #tpu.memory_space<vmem>>
      %dma_start3A_34 = tpu.memref_squeeze %dma_start3A_33 : memref<1x128xi32, #tpu.memory_space<vmem>> -> memref<128xi32, #tpu.memory_space<vmem>>
      %dma_start3A_35 = arith.constant 0 : i32
      %dma_start3A_36 = arith.constant 0 : i32
      %dma_start3A_37 = tpu.memref_slice %arg5[%dma_start3A_35, %dma_start3A_36] : memref<4096x128xf32, #tpu.memory_space<hbm>> -> memref<4096x128xf32, #tpu.memory_space<hbm>>
      tpu.enqueue_indirect_dma source(%dma_start3A_37 : memref<4096x128xf32, #tpu.memory_space<hbm>>) target(%arg13 : memref<128x128xf32, #tpu.memory_space<vmem>>) offsets(%dma_start3A_34 : memref<128xi32, #tpu.memory_space<vmem>>) semaphore(%arg15 : memref<!tpu.dma_semaphore, #tpu.memory_space<semaphore_mem>>)
      %min3A_38 = arith.constant 31 : i32
      %min3A_39 = arith.minsi %add3A_27, %min3A_38 : i32
      %dma_wait3A_40 = arith.constant 0 : i32
      %dma_wait3A_41 = tpu.memref_slice %arg10[%min3A_39, %dma_wait3A_40] : memref<32x128xi32, #tpu.memory_space<vmem>> -> memref<1x128xi32, #tpu.memory_space<vmem>>
      %dma_wait3A_42 = tpu.memref_squeeze %dma_wait3A_41 : memref<1x128xi32, #tpu.memory_space<vmem>> -> memref<128xi32, #tpu.memory_space<vmem>>
      %dma_wait3A_43 = arith.constant 0 : i32
      %dma_wait3A_44 = arith.constant 0 : i32
      %dma_wait3A_45 = tpu.memref_slice %arg5[%dma_wait3A_43, %dma_wait3A_44] : memref<4096x128xf32, #tpu.memory_space<hbm>> -> memref<4096x128xf32, #tpu.memory_space<hbm>>
      tpu.wait_indirect_dma semaphore(%arg14 : memref<!tpu.dma_semaphore, #tpu.memory_space<semaphore_mem>>) src(%dma_wait3A_45 : memref<4096x128xf32, #tpu.memory_space<hbm>>) dst(%arg12 : memref<128x128xf32, #tpu.memory_space<vmem>>)
      %scan3A_46 = arith.constant 0 : i32
      %scan3A_47 = arith.constant 128 : i32
      %scan3A_48 = arith.addi %scan3A_46, %scan3A_47 : i32
      %scan3A_49 = arith.constant 1 : i32
      scf.for %scan3A_78 = %scan3A_46 to %scan3A_48 step %scan3A_49  : i32 {
        %mul3A_79 = arith.constant 1 : i32
        %mul3A_80 = arith.muli %scan3A_78, %mul3A_79 : i32
        %add3A_81 = arith.constant 0 : i32
        %add3A_82 = arith.addi %add3A_81, %mul3A_80 : i32
        %mul3A_83 = arith.constant 128 : i32
        %mul3A_84 = arith.muli %add3A_27, %mul3A_83 : i32
        %add3A_85 = arith.addi %mul3A_84, %add3A_82 : i32
        %broadcast_in_dim3A = vector.broadcast %add3A_85 : i32 to vector<16xi32>
        %gather3A = tpu.vector_load_idx %arg11[%broadcast_in_dim3A] : memref<4096xf32, #tpu.memory_space<vmem>>[vector<16xi32>], vector<16xf32>,
        %get3A = arith.index_cast %add3A_82 : i32 to index
        %get3A_86 = arith.constant 0 : index
        %get3A_87 = tpu.vector_load %arg12[%get3A, %get3A_86] {strides = array<i32>} : memref<128x128xf32, #tpu.memory_space<vmem>>, vector<16xf32>,
        %mul3A_88 = arith.mulf %get3A_87, %gather3A : vector<16xf32>
        %swap3A = arith.index_cast %add3A_82 : i32 to index
        %swap3A_89 = arith.constant 0 : index
        %swap3A_90 = tpu.vector_load %arg12[%swap3A, %swap3A_89] {strides = array<i32>} : memref<128x128xf32, #tpu.memory_space<vmem>>, vector<16xf32>,
        tpu.vector_store %arg12[%swap3A, %swap3A_89], %mul3A_88 {strides = array<i32>} : memref<128x128xf32, #tpu.memory_space<vmem>>, vector<16xf32>,
        %get3A_91 = arith.index_cast %add3A_82 : i32 to index
        %get3A_92 = arith.constant 16 : index
        %get3A_93 = tpu.vector_load %arg12[%get3A_91, %get3A_92] {strides = array<i32>} : memref<128x128xf32, #tpu.memory_space<vmem>>, vector<16xf32>,
        %mul3A_94 = arith.mulf %get3A_93, %gather3A : vector<16xf32>
        %swap3A_95 = arith.index_cast %add3A_82 : i32 to index
        %swap3A_96 = arith.constant 16 : index
        %swap3A_97 = tpu.vector_load %arg12[%swap3A_95, %swap3A_96] {strides = array<i32>} : memref<128x128xf32, #tpu.memory_space<vmem>>, vector<16xf32>,
        tpu.vector_store %arg12[%swap3A_95, %swap3A_96], %mul3A_94 {strides = array<i32>} : memref<128x128xf32, #tpu.memory_space<vmem>>, vector<16xf32>,
        %get3A_98 = arith.index_cast %add3A_82 : i32 to index
        %get3A_99 = arith.constant 32 : index
        %get3A_100 = tpu.vector_load %arg12[%get3A_98, %get3A_99] {strides = array<i32>} : memref<128x128xf32, #tpu.memory_space<vmem>>, vector<16xf32>,
        %mul3A_101 = arith.mulf %get3A_100, %gather3A : vector<16xf32>
        %swap3A_102 = arith.index_cast %add3A_82 : i32 to index
        %swap3A_103 = arith.constant 32 : index
        %swap3A_104 = tpu.vector_load %arg12[%swap3A_102, %swap3A_103] {strides = array<i32>} : memref<128x128xf32, #tpu.memory_space<vmem>>, vector<16xf32>,
        tpu.vector_store %arg12[%swap3A_102, %swap3A_103], %mul3A_101 {strides = array<i32>} : memref<128x128xf32, #tpu.memory_space<vmem>>, vector<16xf32>,
        %get3A_105 = arith.index_cast %add3A_82 : i32 to index
        %get3A_106 = arith.constant 48 : index
        %get3A_107 = tpu.vector_load %arg12[%get3A_105, %get3A_106] {strides = array<i32>} : memref<128x128xf32, #tpu.memory_space<vmem>>, vector<16xf32>,
        %mul3A_108 = arith.mulf %get3A_107, %gather3A : vector<16xf32>
        %swap3A_109 = arith.index_cast %add3A_82 : i32 to index
        %swap3A_110 = arith.constant 48 : index
        %swap3A_111 = tpu.vector_load %arg12[%swap3A_109, %swap3A_110] {strides = array<i32>} : memref<128x128xf32, #tpu.memory_space<vmem>>, vector<16xf32>,
        tpu.vector_store %arg12[%swap3A_109, %swap3A_110], %mul3A_108 {strides = array<i32>} : memref<128x128xf32, #tpu.memory_space<vmem>>, vector<16xf32>,
        %get3A_112 = arith.index_cast %add3A_82 : i32 to index
        %get3A_113 = arith.constant 64 : index
        %get3A_114 = tpu.vector_load %arg12[%get3A_112, %get3A_113] {strides = array<i32>} : memref<128x128xf32, #tpu.memory_space<vmem>>, vector<16xf32>,
        %mul3A_115 = arith.mulf %get3A_114, %gather3A : vector<16xf32>
        %swap3A_116 = arith.index_cast %add3A_82 : i32 to index
        %swap3A_117 = arith.constant 64 : index
        %swap3A_118 = tpu.vector_load %arg12[%swap3A_116, %swap3A_117] {strides = array<i32>} : memref<128x128xf32, #tpu.memory_space<vmem>>, vector<16xf32>,
        tpu.vector_store %arg12[%swap3A_116, %swap3A_117], %mul3A_115 {strides = array<i32>} : memref<128x128xf32, #tpu.memory_space<vmem>>, vector<16xf32>,
        %get3A_119 = arith.index_cast %add3A_82 : i32 to index
        %get3A_120 = arith.constant 80 : index
        %get3A_121 = tpu.vector_load %arg12[%get3A_119, %get3A_120] {strides = array<i32>} : memref<128x128xf32, #tpu.memory_space<vmem>>, vector<16xf32>,
        %mul3A_122 = arith.mulf %get3A_121, %gather3A : vector<16xf32>
        %swap3A_123 = arith.index_cast %add3A_82 : i32 to index
        %swap3A_124 = arith.constant 80 : index
        %swap3A_125 = tpu.vector_load %arg12[%swap3A_123, %swap3A_124] {strides = array<i32>} : memref<128x128xf32, #tpu.memory_space<vmem>>, vector<16xf32>,
        tpu.vector_store %arg12[%swap3A_123, %swap3A_124], %mul3A_122 {strides = array<i32>} : memref<128x128xf32, #tpu.memory_space<vmem>>, vector<16xf32>,
        %get3A_126 = arith.index_cast %add3A_82 : i32 to index
        %get3A_127 = arith.constant 96 : index
        %get3A_128 = tpu.vector_load %arg12[%get3A_126, %get3A_127] {strides = array<i32>} : memref<128x128xf32, #tpu.memory_space<vmem>>, vector<16xf32>,
        %mul3A_129 = arith.mulf %get3A_128, %gather3A : vector<16xf32>
        %swap3A_130 = arith.index_cast %add3A_82 : i32 to index
        %swap3A_131 = arith.constant 96 : index
        %swap3A_132 = tpu.vector_load %arg12[%swap3A_130, %swap3A_131] {strides = array<i32>} : memref<128x128xf32, #tpu.memory_space<vmem>>, vector<16xf32>,
        tpu.vector_store %arg12[%swap3A_130, %swap3A_131], %mul3A_129 {strides = array<i32>} : memref<128x128xf32, #tpu.memory_space<vmem>>, vector<16xf32>,
        %get3A_133 = arith.index_cast %add3A_82 : i32 to index
        %get3A_134 = arith.constant 112 : index
        %get3A_135 = tpu.vector_load %arg12[%get3A_133, %get3A_134] {strides = array<i32>} : memref<128x128xf32, #tpu.memory_space<vmem>>, vector<16xf32>,
        %mul3A_136 = arith.mulf %get3A_135, %gather3A : vector<16xf32>
        %swap3A_137 = arith.index_cast %add3A_82 : i32 to index
        %swap3A_138 = arith.constant 112 : index
        %swap3A_139 = tpu.vector_load %arg12[%swap3A_137, %swap3A_138] {strides = array<i32>} : memref<128x128xf32, #tpu.memory_space<vmem>>, vector<16xf32>,
        tpu.vector_store %arg12[%swap3A_137, %swap3A_138], %mul3A_136 {strides = array<i32>} : memref<128x128xf32, #tpu.memory_space<vmem>>, vector<16xf32>,
      }
      %scan3A_50 = arith.constant 128 : i32
      "tpu.region"() ({
        %run_scoped3A = tpu.sem_alloc : memref<!tpu.dma_semaphore, #tpu.memory_space<semaphore_mem>>
        %dma_start3A_78 = arith.constant 0 : i32
        %dma_start3A_79 = tpu.memref_slice %arg9[%add3A_27, %dma_start3A_78] : memref<32x128xi32, #tpu.memory_space<vmem>> -> memref<1x128xi32, #tpu.memory_space<vmem>>
        %dma_start3A_80 = tpu.memref_squeeze %dma_start3A_79 : memref<1x128xi32, #tpu.memory_space<vmem>> -> memref<128xi32, #tpu.memory_space<vmem>>
        %dma_start3A_81 = arith.constant 0 : i32
        %dma_start3A_82 = arith.constant 0 : i32
        %dma_start3A_83 = tpu.memref_slice %arg8[%dma_start3A_81, %dma_start3A_82] : memref<4096x128xf32, #tpu.memory_space<vmem_shared>> -> memref<4096x128xf32, #tpu.memory_space<vmem_shared>>
        tpu.enqueue_indirect_dma source(%arg12 : memref<128x128xf32, #tpu.memory_space<vmem>>) target(%dma_start3A_83 : memref<4096x128xf32, #tpu.memory_space<vmem_shared>>) offsets(%dma_start3A_80 : memref<128xi32, #tpu.memory_space<vmem>>) semaphore(%run_scoped3A : memref<!tpu.dma_semaphore, #tpu.memory_space<semaphore_mem>>) {add = true}
        %dma_wait3A_84 = arith.constant 0 : i32
        %dma_wait3A_85 = tpu.memref_slice %arg9[%add3A_27, %dma_wait3A_84] : memref<32x128xi32, #tpu.memory_space<vmem>> -> memref<1x128xi32, #tpu.memory_space<vmem>>
        %dma_wait3A_86 = tpu.memref_squeeze %dma_wait3A_85 : memref<1x128xi32, #tpu.memory_space<vmem>> -> memref<128xi32, #tpu.memory_space<vmem>>
        %dma_wait3A_87 = arith.constant 0 : i32
        %dma_wait3A_88 = arith.constant 0 : i32
        %dma_wait3A_89 = tpu.memref_slice %arg8[%dma_wait3A_87, %dma_wait3A_88] : memref<4096x128xf32, #tpu.memory_space<vmem_shared>> -> memref<4096x128xf32, #tpu.memory_space<vmem_shared>>
        tpu.wait_indirect_dma semaphore(%run_scoped3A : memref<!tpu.dma_semaphore, #tpu.memory_space<semaphore_mem>>) src(%arg12 : memref<128x128xf32, #tpu.memory_space<vmem>>) dst(%dma_wait3A_89 : memref<4096x128xf32, #tpu.memory_space<vmem_shared>>)
        tpu.yield
      }) : () -> ()
      %add3A_51 = arith.constant 2 : i32
      %add3A_52 = arith.addi %add3A_27, %add3A_51 : i32
      %min3A_53 = arith.constant 31 : i32
      %min3A_54 = arith.minsi %add3A_52, %min3A_53 : i32
      %dma_start3A_55 = arith.constant 0 : i32
      %dma_start3A_56 = tpu.memref_slice %arg10[%min3A_54, %dma_start3A_55] : memref<32x128xi32, #tpu.memory_space<vmem>> -> memref<1x128xi32, #tpu.memory_space<vmem>>
      %dma_start3A_57 = tpu.memref_squeeze %dma_start3A_56 : memref<1x128xi32, #tpu.memory_space<vmem>> -> memref<128xi32, #tpu.memory_space<vmem>>
      %dma_start3A_58 = arith.constant 0 : i32
      %dma_start3A_59 = arith.constant 0 : i32
      %dma_start3A_60 = tpu.memref_slice %arg5[%dma_start3A_58, %dma_start3A_59] : memref<4096x128xf32, #tpu.memory_space<hbm>> -> memref<4096x128xf32, #tpu.memory_space<hbm>>
      tpu.enqueue_indirect_dma source(%dma_start3A_60 : memref<4096x128xf32, #tpu.memory_space<hbm>>) target(%arg12 : memref<128x128xf32, #tpu.memory_space<vmem>>) offsets(%dma_start3A_57 : memref<128xi32, #tpu.memory_space<vmem>>) semaphore(%arg14 : memref<!tpu.dma_semaphore, #tpu.memory_space<semaphore_mem>>)
      %add3A_61 = arith.constant 1 : i32
      %add3A_62 = arith.addi %add3A_27, %add3A_61 : i32
      %min3A_63 = arith.constant 31 : i32
      %min3A_64 = arith.minsi %add3A_62, %min3A_63 : i32
      %dma_wait3A_65 = arith.constant 0 : i32
      %dma_wait3A_66 = tpu.memref_slice %arg10[%min3A_64, %dma_wait3A_65] : memref<32x128xi32, #tpu.memory_space<vmem>> -> memref<1x128xi32, #tpu.memory_space<vmem>>
      %dma_wait3A_67 = tpu.memref_squeeze %dma_wait3A_66 : memref<1x128xi32, #tpu.memory_space<vmem>> -> memref<128xi32, #tpu.memory_space<vmem>>
      %dma_wait3A_68 = arith.constant 0 : i32
      %dma_wait3A_69 = arith.constant 0 : i32
      %dma_wait3A_70 = tpu.memref_slice %arg5[%dma_wait3A_68, %dma_wait3A_69] : memref<4096x128xf32, #tpu.memory_space<hbm>> -> memref<4096x128xf32, #tpu.memory_space<hbm>>
      tpu.wait_indirect_dma semaphore(%arg15 : memref<!tpu.dma_semaphore, #tpu.memory_space<semaphore_mem>>) src(%dma_wait3A_70 : memref<4096x128xf32, #tpu.memory_space<hbm>>) dst(%arg13 : memref<128x128xf32, #tpu.memory_space<vmem>>)
      %add3A_71 = arith.constant 1 : i32
      %add3A_72 = arith.addi %add3A_27, %add3A_71 : i32
      %scan3A_73 = arith.constant 0 : i32
      %scan3A_74 = arith.constant 128 : i32
      %scan3A_75 = arith.addi %scan3A_73, %scan3A_74 : i32
      %scan3A_76 = arith.constant 1 : i32
      scf.for %scan3A_78 = %scan3A_73 to %scan3A_75 step %scan3A_76  : i32 {
        %mul3A_79 = arith.constant 1 : i32
        %mul3A_80 = arith.muli %scan3A_78, %mul3A_79 : i32
        %add3A_81 = arith.constant 0 : i32
        %add3A_82 = arith.addi %add3A_81, %mul3A_80 : i32
        %mul3A_83 = arith.constant 128 : i32
        %mul3A_84 = arith.muli %add3A_72, %mul3A_83 : i32
        %add3A_85 = arith.addi %mul3A_84, %add3A_82 : i32
        %broadcast_in_dim3A = vector.broadcast %add3A_85 : i32 to vector<16xi32>
        %gather3A = tpu.vector_load_idx %arg11[%broadcast_in_dim3A] : memref<4096xf32, #tpu.memory_space<vmem>>[vector<16xi32>], vector<16xf32>,
        %get3A = arith.index_cast %add3A_82 : i32 to index
        %get3A_86 = arith.constant 0 : index
        %get3A_87 = tpu.vector_load %arg13[%get3A, %get3A_86] {strides = array<i32>} : memref<128x128xf32, #tpu.memory_space<vmem>>, vector<16xf32>,
        %mul3A_88 = arith.mulf %get3A_87, %gather3A : vector<16xf32>
        %swap3A = arith.index_cast %add3A_82 : i32 to index
        %swap3A_89 = arith.constant 0 : index
        %swap3A_90 = tpu.vector_load %arg13[%swap3A, %swap3A_89] {strides = array<i32>} : memref<128x128xf32, #tpu.memory_space<vmem>>, vector<16xf32>,
        tpu.vector_store %arg13[%swap3A, %swap3A_89], %mul3A_88 {strides = array<i32>} : memref<128x128xf32, #tpu.memory_space<vmem>>, vector<16xf32>,
        %get3A_91 = arith.index_cast %add3A_82 : i32 to index
        %get3A_92 = arith.constant 16 : index
        %get3A_93 = tpu.vector_load %arg13[%get3A_91, %get3A_92] {strides = array<i32>} : memref<128x128xf32, #tpu.memory_space<vmem>>, vector<16xf32>,
        %mul3A_94 = arith.mulf %get3A_93, %gather3A : vector<16xf32>
        %swap3A_95 = arith.index_cast %add3A_82 : i32 to index
        %swap3A_96 = arith.constant 16 : index
        %swap3A_97 = tpu.vector_load %arg13[%swap3A_95, %swap3A_96] {strides = array<i32>} : memref<128x128xf32, #tpu.memory_space<vmem>>, vector<16xf32>,
        tpu.vector_store %arg13[%swap3A_95, %swap3A_96], %mul3A_94 {strides = array<i32>} : memref<128x128xf32, #tpu.memory_space<vmem>>, vector<16xf32>,
        %get3A_98 = arith.index_cast %add3A_82 : i32 to index
        %get3A_99 = arith.constant 32 : index
        %get3A_100 = tpu.vector_load %arg13[%get3A_98, %get3A_99] {strides = array<i32>} : memref<128x128xf32, #tpu.memory_space<vmem>>, vector<16xf32>,
        %mul3A_101 = arith.mulf %get3A_100, %gather3A : vector<16xf32>
        %swap3A_102 = arith.index_cast %add3A_82 : i32 to index
        %swap3A_103 = arith.constant 32 : index
        %swap3A_104 = tpu.vector_load %arg13[%swap3A_102, %swap3A_103] {strides = array<i32>} : memref<128x128xf32, #tpu.memory_space<vmem>>, vector<16xf32>,
        tpu.vector_store %arg13[%swap3A_102, %swap3A_103], %mul3A_101 {strides = array<i32>} : memref<128x128xf32, #tpu.memory_space<vmem>>, vector<16xf32>,
        %get3A_105 = arith.index_cast %add3A_82 : i32 to index
        %get3A_106 = arith.constant 48 : index
        %get3A_107 = tpu.vector_load %arg13[%get3A_105, %get3A_106] {strides = array<i32>} : memref<128x128xf32, #tpu.memory_space<vmem>>, vector<16xf32>,
        %mul3A_108 = arith.mulf %get3A_107, %gather3A : vector<16xf32>
        %swap3A_109 = arith.index_cast %add3A_82 : i32 to index
        %swap3A_110 = arith.constant 48 : index
        %swap3A_111 = tpu.vector_load %arg13[%swap3A_109, %swap3A_110] {strides = array<i32>} : memref<128x128xf32, #tpu.memory_space<vmem>>, vector<16xf32>,
        tpu.vector_store %arg13[%swap3A_109, %swap3A_110], %mul3A_108 {strides = array<i32>} : memref<128x128xf32, #tpu.memory_space<vmem>>, vector<16xf32>,
        %get3A_112 = arith.index_cast %add3A_82 : i32 to index
        %get3A_113 = arith.constant 64 : index
        %get3A_114 = tpu.vector_load %arg13[%get3A_112, %get3A_113] {strides = array<i32>} : memref<128x128xf32, #tpu.memory_space<vmem>>, vector<16xf32>,
        %mul3A_115 = arith.mulf %get3A_114, %gather3A : vector<16xf32>
        %swap3A_116 = arith.index_cast %add3A_82 : i32 to index
        %swap3A_117 = arith.constant 64 : index
        %swap3A_118 = tpu.vector_load %arg13[%swap3A_116, %swap3A_117] {strides = array<i32>} : memref<128x128xf32, #tpu.memory_space<vmem>>, vector<16xf32>,
        tpu.vector_store %arg13[%swap3A_116, %swap3A_117], %mul3A_115 {strides = array<i32>} : memref<128x128xf32, #tpu.memory_space<vmem>>, vector<16xf32>,
        %get3A_119 = arith.index_cast %add3A_82 : i32 to index
        %get3A_120 = arith.constant 80 : index
        %get3A_121 = tpu.vector_load %arg13[%get3A_119, %get3A_120] {strides = array<i32>} : memref<128x128xf32, #tpu.memory_space<vmem>>, vector<16xf32>,
        %mul3A_122 = arith.mulf %get3A_121, %gather3A : vector<16xf32>
        %swap3A_123 = arith.index_cast %add3A_82 : i32 to index
        %swap3A_124 = arith.constant 80 : index
        %swap3A_125 = tpu.vector_load %arg13[%swap3A_123, %swap3A_124] {strides = array<i32>} : memref<128x128xf32, #tpu.memory_space<vmem>>, vector<16xf32>,
        tpu.vector_store %arg13[%swap3A_123, %swap3A_124], %mul3A_122 {strides = array<i32>} : memref<128x128xf32, #tpu.memory_space<vmem>>, vector<16xf32>,
        %get3A_126 = arith.index_cast %add3A_82 : i32 to index
        %get3A_127 = arith.constant 96 : index
        %get3A_128 = tpu.vector_load %arg13[%get3A_126, %get3A_127] {strides = array<i32>} : memref<128x128xf32, #tpu.memory_space<vmem>>, vector<16xf32>,
        %mul3A_129 = arith.mulf %get3A_128, %gather3A : vector<16xf32>
        %swap3A_130 = arith.index_cast %add3A_82 : i32 to index
        %swap3A_131 = arith.constant 96 : index
        %swap3A_132 = tpu.vector_load %arg13[%swap3A_130, %swap3A_131] {strides = array<i32>} : memref<128x128xf32, #tpu.memory_space<vmem>>, vector<16xf32>,
        tpu.vector_store %arg13[%swap3A_130, %swap3A_131], %mul3A_129 {strides = array<i32>} : memref<128x128xf32, #tpu.memory_space<vmem>>, vector<16xf32>,
        %get3A_133 = arith.index_cast %add3A_82 : i32 to index
        %get3A_134 = arith.constant 112 : index
        %get3A_135 = tpu.vector_load %arg13[%get3A_133, %get3A_134] {strides = array<i32>} : memref<128x128xf32, #tpu.memory_space<vmem>>, vector<16xf32>,
        %mul3A_136 = arith.mulf %get3A_135, %gather3A : vector<16xf32>
        %swap3A_137 = arith.index_cast %add3A_82 : i32 to index
        %swap3A_138 = arith.constant 112 : index
        %swap3A_139 = tpu.vector_load %arg13[%swap3A_137, %swap3A_138] {strides = array<i32>} : memref<128x128xf32, #tpu.memory_space<vmem>>, vector<16xf32>,
        tpu.vector_store %arg13[%swap3A_137, %swap3A_138], %mul3A_136 {strides = array<i32>} : memref<128x128xf32, #tpu.memory_space<vmem>>, vector<16xf32>,
      }
      %scan3A_77 = arith.constant 128 : i32
      "tpu.region"() ({
        %run_scoped3A = tpu.sem_alloc : memref<!tpu.dma_semaphore, #tpu.memory_space<semaphore_mem>>
        %dma_start3A_78 = arith.constant 0 : i32
        %dma_start3A_79 = tpu.memref_slice %arg9[%add3A_72, %dma_start3A_78] : memref<32x128xi32, #tpu.memory_space<vmem>> -> memref<1x128xi32, #tpu.memory_space<vmem>>
        %dma_start3A_80 = tpu.memref_squeeze %dma_start3A_79 : memref<1x128xi32, #tpu.memory_space<vmem>> -> memref<128xi32, #tpu.memory_space<vmem>>
        %dma_start3A_81 = arith.constant 0 : i32
        %dma_start3A_82 = arith.constant 0 : i32
        %dma_start3A_83 = tpu.memref_slice %arg8[%dma_start3A_81, %dma_start3A_82] : memref<4096x128xf32, #tpu.memory_space<vmem_shared>> -> memref<4096x128xf32, #tpu.memory_space<vmem_shared>>
        tpu.enqueue_indirect_dma source(%arg13 : memref<128x128xf32, #tpu.memory_space<vmem>>) target(%dma_start3A_83 : memref<4096x128xf32, #tpu.memory_space<vmem_shared>>) offsets(%dma_start3A_80 : memref<128xi32, #tpu.memory_space<vmem>>) semaphore(%run_scoped3A : memref<!tpu.dma_semaphore, #tpu.memory_space<semaphore_mem>>) {add = true}
        %dma_wait3A_84 = arith.constant 0 : i32
        %dma_wait3A_85 = tpu.memref_slice %arg9[%add3A_72, %dma_wait3A_84] : memref<32x128xi32, #tpu.memory_space<vmem>> -> memref<1x128xi32, #tpu.memory_space<vmem>>
        %dma_wait3A_86 = tpu.memref_squeeze %dma_wait3A_85 : memref<1x128xi32, #tpu.memory_space<vmem>> -> memref<128xi32, #tpu.memory_space<vmem>>
        %dma_wait3A_87 = arith.constant 0 : i32
        %dma_wait3A_88 = arith.constant 0 : i32
        %dma_wait3A_89 = tpu.memref_slice %arg8[%dma_wait3A_87, %dma_wait3A_88] : memref<4096x128xf32, #tpu.memory_space<vmem_shared>> -> memref<4096x128xf32, #tpu.memory_space<vmem_shared>>
        tpu.wait_indirect_dma semaphore(%run_scoped3A : memref<!tpu.dma_semaphore, #tpu.memory_space<semaphore_mem>>) src(%arg13 : memref<128x128xf32, #tpu.memory_space<vmem>>) dst(%dma_wait3A_89 : memref<4096x128xf32, #tpu.memory_space<vmem_shared>>)
        tpu.yield
      }) : () -> ()
    }
    %scan3A_13 = arith.constant 16 : i32
    %min3A_14 = arith.constant 32 : i32
    %min3A_15 = arith.constant 31 : i32
    %min3A_16 = arith.minsi %min3A_14, %min3A_15 : i32
    %dma_wait3A = arith.constant 0 : i32
    %dma_wait3A_17 = tpu.memref_slice %arg10[%min3A_16, %dma_wait3A] : memref<32x128xi32, #tpu.memory_space<vmem>> -> memref<1x128xi32, #tpu.memory_space<vmem>>
    %dma_wait3A_18 = tpu.memref_squeeze %dma_wait3A_17 : memref<1x128xi32, #tpu.memory_space<vmem>> -> memref<128xi32, #tpu.memory_space<vmem>>
    %dma_wait3A_19 = arith.constant 0 : i32
    %dma_wait3A_20 = arith.constant 0 : i32
    %dma_wait3A_21 = tpu.memref_slice %arg5[%dma_wait3A_19, %dma_wait3A_20] : memref<4096x128xf32, #tpu.memory_space<hbm>> -> memref<4096x128xf32, #tpu.memory_space<hbm>>
    tpu.wait_indirect_dma semaphore(%arg14 : memref<!tpu.dma_semaphore, #tpu.memory_space<semaphore_mem>>) src(%dma_wait3A_21 : memref<4096x128xf32, #tpu.memory_space<hbm>>) dst(%arg12 : memref<128x128xf32, #tpu.memory_space<vmem>>)
    %barrier3A_22 = arith.constant 0 : index
    tpu.barrier barrier_id(%barrier3A_22)
    "tpu.region"() ({
      %run_scoped3A = tpu.sem_alloc : memref<!tpu.dma_semaphore, #tpu.memory_space<semaphore_mem>>
      %dma_start3A_23 = arith.constant 0 : i32
      %dma_start3A_24 = tpu.memref_slice %arg7[%arg0, %mul3A_2, %dma_start3A_23] : memref<2x4096x128xf32, #tpu.memory_space<hbm>> -> memref<1x256x128xf32, #tpu.memory_space<hbm>>
      %dma_start3A_25 = tpu.memref_squeeze %dma_start3A_24 : memref<1x256x128xf32, #tpu.memory_space<hbm>> -> memref<256x128xf32, #tpu.memory_space<hbm>>
      %dma_start3A_26 = arith.constant 0 : i32
      %dma_start3A_27 = tpu.memref_slice %arg8[%mul3A_2, %dma_start3A_26] : memref<4096x128xf32, #tpu.memory_space<vmem_shared>> -> memref<256x128xf32, #tpu.memory_space<vmem_shared>>
      tpu.enqueue_dma source(%dma_start3A_27 : memref<256x128xf32, #tpu.memory_space<vmem_shared>>) target(%dma_start3A_25 : memref<256x128xf32, #tpu.memory_space<hbm>>) target_semaphore(%run_scoped3A : memref<!tpu.dma_semaphore, #tpu.memory_space<semaphore_mem>>)
      %dma_wait3A_28 = arith.constant 0 : i32
      %dma_wait3A_29 = tpu.memref_slice %arg7[%arg0, %mul3A_2, %dma_wait3A_28] : memref<2x4096x128xf32, #tpu.memory_space<hbm>> -> memref<1x256x128xf32, #tpu.memory_space<hbm>>
      %dma_wait3A_30 = tpu.memref_squeeze %dma_wait3A_29 : memref<1x256x128xf32, #tpu.memory_space<hbm>> -> memref<256x128xf32, #tpu.memory_space<hbm>>
      %dma_wait3A_31 = arith.constant 0 : i32
      %dma_wait3A_32 = tpu.memref_slice %arg8[%mul3A_2, %dma_wait3A_31] : memref<4096x128xf32, #tpu.memory_space<vmem_shared>> -> memref<256x128xf32, #tpu.memory_space<vmem_shared>>
      tpu.wait_dma2 semaphore(%run_scoped3A : memref<!tpu.dma_semaphore, #tpu.memory_space<semaphore_mem>>) src(%dma_wait3A_32 : memref<256x128xf32, #tpu.memory_space<vmem_shared>>) dst(%dma_wait3A_30 : memref<256x128xf32, #tpu.memory_space<hbm>>)
      tpu.yield
    }) : () -> ()
    return
  }
}

module attributes {stable_mosaic.version = 14 : i64} {
  func.func @_mm_kernel_relu(%arg0: i32, %arg1: memref<256x2048xf32, #tpu.memory_space<vmem>>, %arg2: memref<2048x128xf32, #tpu.memory_space<vmem>>, %arg3: memref<256x128xf32, #tpu.memory_space<vmem>>) attributes {dimension_semantics = [#tpu.dimension_semantics<arbitrary>], iteration_bounds = array<i64: 8>, scalar_prefetch = 0 : i64, scratch_operands = 0 : i64, tpu.core_type = #tpu.core_type<tc>, window_params = [{transform_indices = @transform_0, window_bounds = array<i64: 256, 2048>}, {pipeline_mode = #tpu.pipeline_mode<synchronous>, transform_indices = @transform_1, window_bounds = array<i64: 2048, 128>}, {transform_indices = @transform_2, window_bounds = array<i64: 256, 128>}]} {
    %get3A = arith.constant 0 : index
    %get3A_0 = arith.constant 0 : index
    %get3A_1 = vector.load %arg1[%get3A, %get3A_0] : memref<256x2048xf32, #tpu.memory_space<vmem>>, vector<256x2048xf32>
    %get3A_2 = arith.constant 0 : index
    %get3A_3 = arith.constant 0 : index
    %get3A_4 = vector.load %arg2[%get3A_2, %get3A_3] : memref<2048x128xf32, #tpu.memory_space<vmem>>, vector<2048x128xf32>
    %dot_general3A = arith.constant dense<0.000000e+00> : vector<256x128xf32>
    %dot_general3A_5 = tpu.matmul %get3A_1, %get3A_4, %dot_general3A {dimension_numbers = #tpu.dot_dimension_numbers<[1], [0], [0], [1], [0, 0, 1, 1], [], []>, transpose_lhs_hint = false} : vector<256x2048xf32>, vector<2048x128xf32>, vector<256x128xf32> -> vector<256x128xf32>
    %max3A = arith.constant 0.000000e+00 : f32
    %max3A_6 = vector.broadcast %max3A : f32 to vector<256x128xf32>
    %max3A_7 = arith.maximumf %dot_general3A_5, %max3A_6 : vector<256x128xf32>
    %swap3A = arith.constant 0 : index
    %swap3A_8 = arith.constant 0 : index
    %swap3A_9 = vector.load %arg3[%swap3A, %swap3A_8] : memref<256x128xf32, #tpu.memory_space<vmem>>, vector<256x128xf32>
    tpu.vector_store %arg3[%swap3A, %swap3A_8], %max3A_7 {strides = array<i32>} : memref<256x128xf32, #tpu.memory_space<vmem>>, vector<256x128xf32>,
    return
  }
  func.func @transform_0(%arg0: i32) -> (i32, i32) {
    %c0_i32 = arith.constant 0 : i32
    %c0_i32_0 = arith.constant 0 : i32
    return %arg0, %c0_i32 : i32, i32
  }
  func.func @transform_1(%arg0: i32) -> (i32, i32) {
    %c0_i32 = arith.constant 0 : i32
    %c0_i32_0 = arith.constant 0 : i32
    %c0_i32_1 = arith.constant 0 : i32
    return %c0_i32, %c0_i32_0 : i32, i32
  }
  func.func @transform_2(%arg0: i32) -> (i32, i32) {
    %c0_i32 = arith.constant 0 : i32
    %c0_i32_0 = arith.constant 0 : i32
    return %arg0, %c0_i32 : i32, i32
  }
}

module attributes {stable_mosaic.version = 14 : i64} {
  func.func @_mm_kernel_relu_skip(%arg0: i32, %arg1: memref<256x2048xf32, #tpu.memory_space<vmem>>, %arg2: memref<2048x128xf32, #tpu.memory_space<vmem>>, %arg3: memref<256x128xf32, #tpu.memory_space<vmem>>, %arg4: memref<256x128xf32, #tpu.memory_space<vmem>>) attributes {dimension_semantics = [#tpu.dimension_semantics<arbitrary>], iteration_bounds = array<i64: 8>, scalar_prefetch = 0 : i64, scratch_operands = 0 : i64, tpu.core_type = #tpu.core_type<tc>, window_params = [{transform_indices = @transform_0, window_bounds = array<i64: 256, 2048>}, {pipeline_mode = #tpu.pipeline_mode<synchronous>, transform_indices = @transform_1, window_bounds = array<i64: 2048, 128>}, {transform_indices = @transform_2, window_bounds = array<i64: 256, 128>}, {transform_indices = @transform_3, window_bounds = array<i64: 256, 128>}]} {
    %get3A = arith.constant 0 : index
    %get3A_0 = arith.constant 0 : index
    %get3A_1 = vector.load %arg1[%get3A, %get3A_0] : memref<256x2048xf32, #tpu.memory_space<vmem>>, vector<256x2048xf32>
    %get3A_2 = arith.constant 0 : index
    %get3A_3 = arith.constant 0 : index
    %get3A_4 = vector.load %arg2[%get3A_2, %get3A_3] : memref<2048x128xf32, #tpu.memory_space<vmem>>, vector<2048x128xf32>
    %dot_general3A = arith.constant dense<0.000000e+00> : vector<256x128xf32>
    %dot_general3A_5 = tpu.matmul %get3A_1, %get3A_4, %dot_general3A {dimension_numbers = #tpu.dot_dimension_numbers<[1], [0], [0], [1], [0, 0, 1, 1], [], []>, transpose_lhs_hint = false} : vector<256x2048xf32>, vector<2048x128xf32>, vector<256x128xf32> -> vector<256x128xf32>
    %max3A = arith.constant 0.000000e+00 : f32
    %max3A_6 = vector.broadcast %max3A : f32 to vector<256x128xf32>
    %max3A_7 = arith.maximumf %dot_general3A_5, %max3A_6 : vector<256x128xf32>
    %get3A_8 = arith.constant 0 : index
    %get3A_9 = arith.constant 0 : index
    %get3A_10 = vector.load %arg3[%get3A_8, %get3A_9] : memref<256x128xf32, #tpu.memory_space<vmem>>, vector<256x128xf32>
    %add3A = arith.addf %max3A_7, %get3A_10 : vector<256x128xf32>
    %swap3A = arith.constant 0 : index
    %swap3A_11 = arith.constant 0 : index
    %swap3A_12 = vector.load %arg4[%swap3A, %swap3A_11] : memref<256x128xf32, #tpu.memory_space<vmem>>, vector<256x128xf32>
    tpu.vector_store %arg4[%swap3A, %swap3A_11], %add3A {strides = array<i32>} : memref<256x128xf32, #tpu.memory_space<vmem>>, vector<256x128xf32>,
    return
  }
  func.func @transform_0(%arg0: i32) -> (i32, i32) {
    %c0_i32 = arith.constant 0 : i32
    %c0_i32_0 = arith.constant 0 : i32
    return %arg0, %c0_i32 : i32, i32
  }
  func.func @transform_1(%arg0: i32) -> (i32, i32) {
    %c0_i32 = arith.constant 0 : i32
    %c0_i32_0 = arith.constant 0 : i32
    %c0_i32_1 = arith.constant 0 : i32
    return %c0_i32, %c0_i32_0 : i32, i32
  }
  func.func @transform_2(%arg0: i32) -> (i32, i32) {
    %c0_i32 = arith.constant 0 : i32
    %c0_i32_0 = arith.constant 0 : i32
    return %arg0, %c0_i32 : i32, i32
  }
  func.func @transform_3(%arg0: i32) -> (i32, i32) {
    %c0_i32 = arith.constant 0 : i32
    %c0_i32_0 = arith.constant 0 : i32
    return %arg0, %c0_i32 : i32, i32
  }
}

module attributes {stable_mosaic.version = 14 : i64} {
  func.func @_mm_kernel_plain(%arg0: i32, %arg1: memref<256x2048xf32, #tpu.memory_space<vmem>>, %arg2: memref<2048x128xf32, #tpu.memory_space<vmem>>, %arg3: memref<256x128xf32, #tpu.memory_space<vmem>>) attributes {dimension_semantics = [#tpu.dimension_semantics<arbitrary>], iteration_bounds = array<i64: 8>, scalar_prefetch = 0 : i64, scratch_operands = 0 : i64, tpu.core_type = #tpu.core_type<tc>, window_params = [{transform_indices = @transform_0, window_bounds = array<i64: 256, 2048>}, {pipeline_mode = #tpu.pipeline_mode<synchronous>, transform_indices = @transform_1, window_bounds = array<i64: 2048, 128>}, {transform_indices = @transform_2, window_bounds = array<i64: 256, 128>}]} {
    %get3A = arith.constant 0 : index
    %get3A_0 = arith.constant 0 : index
    %get3A_1 = vector.load %arg1[%get3A, %get3A_0] : memref<256x2048xf32, #tpu.memory_space<vmem>>, vector<256x2048xf32>
    %get3A_2 = arith.constant 0 : index
    %get3A_3 = arith.constant 0 : index
    %get3A_4 = vector.load %arg2[%get3A_2, %get3A_3] : memref<2048x128xf32, #tpu.memory_space<vmem>>, vector<2048x128xf32>
    %dot_general3A = arith.constant dense<0.000000e+00> : vector<256x128xf32>
    %dot_general3A_5 = tpu.matmul %get3A_1, %get3A_4, %dot_general3A {dimension_numbers = #tpu.dot_dimension_numbers<[1], [0], [0], [1], [0, 0, 1, 1], [], []>, transpose_lhs_hint = false} : vector<256x2048xf32>, vector<2048x128xf32>, vector<256x128xf32> -> vector<256x128xf32>
    %swap3A = arith.constant 0 : index
    %swap3A_6 = arith.constant 0 : index
    %swap3A_7 = vector.load %arg3[%swap3A, %swap3A_6] : memref<256x128xf32, #tpu.memory_space<vmem>>, vector<256x128xf32>
    tpu.vector_store %arg3[%swap3A, %swap3A_6], %dot_general3A_5 {strides = array<i32>} : memref<256x128xf32, #tpu.memory_space<vmem>>, vector<256x128xf32>,
    return
  }
  func.func @transform_0(%arg0: i32) -> (i32, i32) {
    %c0_i32 = arith.constant 0 : i32
    %c0_i32_0 = arith.constant 0 : i32
    return %arg0, %c0_i32 : i32, i32
  }
  func.func @transform_1(%arg0: i32) -> (i32, i32) {
    %c0_i32 = arith.constant 0 : i32
    %c0_i32_0 = arith.constant 0 : i32
    %c0_i32_1 = arith.constant 0 : i32
    return %c0_i32, %c0_i32_0 : i32, i32
  }
  func.func @transform_2(%arg0: i32) -> (i32, i32) {
    %c0_i32 = arith.constant 0 : i32
    %c0_i32_0 = arith.constant 0 : i32
    return %arg0, %c0_i32 : i32, i32
  }
}

module attributes {stable_mosaic.version = 14 : i64} {
  func.func @_learned_kernel(%arg0: memref<2048x128xf32, #tpu.memory_space<vmem>>, %arg1: memref<2048x128xf32, #tpu.memory_space<vmem>>, %arg2: memref<2048x128xf32, #tpu.memory_space<vmem>>, %arg3: memref<2048x128xf32, #tpu.memory_space<vmem>>, %arg4: memref<2048x128xf32, #tpu.memory_space<vmem>>) attributes {dimension_semantics = [], scalar_prefetch = 0 : i64, scratch_operands = 0 : i64, tpu.core_type = #tpu.core_type<tc>} {
    %get3A = arith.constant 0 : index
    %get3A_0 = arith.constant 0 : index
    %get3A_1 = vector.load %arg0[%get3A, %get3A_0] : memref<2048x128xf32, #tpu.memory_space<vmem>>, vector<2048x128xf32>
    %mul3A = arith.constant 2.000000e+00 : f32
    %mul3A_2 = vector.broadcast %mul3A : f32 to vector<2048x128xf32>
    %mul3A_3 = arith.mulf %get3A_1, %mul3A_2 : vector<2048x128xf32>
    %get3A_4 = arith.constant 0 : index
    %get3A_5 = arith.constant 0 : index
    %get3A_6 = vector.load %arg1[%get3A_4, %get3A_5] : memref<2048x128xf32, #tpu.memory_space<vmem>>, vector<2048x128xf32>
    %mul3A_7 = arith.constant 2.000000e+00 : f32
    %mul3A_8 = vector.broadcast %mul3A_7 : f32 to vector<2048x128xf32>
    %mul3A_9 = arith.mulf %get3A_6, %mul3A_8 : vector<2048x128xf32>
    %mul3A_10 = arith.mulf %mul3A_3, %mul3A_3 : vector<2048x128xf32>
    %reduce_sum3A = arith.constant dense<0.000000e+00> : vector<2048xf32>
    %reduce_sum3A_11 = vector.multi_reduction <add>, %mul3A_10, %reduce_sum3A [1] : vector<2048x128xf32> to vector<2048xf32>
    %broadcast_in_dim3A = vector.shape_cast %reduce_sum3A_11 : vector<2048xf32> to vector<2048x1xf32>
    %sqrt3A = math.sqrt %broadcast_in_dim3A : vector<2048x1xf32>
    %max3A = arith.constant 9.99999993E-9 : f32
    %max3A_12 = vector.broadcast %max3A : f32 to vector<2048x1xf32>
    %max3A_13 = arith.maximumf %sqrt3A, %max3A_12 : vector<2048x1xf32>
    %div3A = vector.broadcast %max3A_13 : vector<2048x1xf32> to vector<2048x128xf32>
    %div3A_14 = arith.divf %mul3A_3, %div3A : vector<2048x128xf32>
    %mul3A_15 = arith.mulf %mul3A_9, %mul3A_9 : vector<2048x128xf32>
    %reduce_sum3A_16 = arith.constant dense<0.000000e+00> : vector<2048xf32>
    %reduce_sum3A_17 = vector.multi_reduction <add>, %mul3A_15, %reduce_sum3A_16 [1] : vector<2048x128xf32> to vector<2048xf32>
    %broadcast_in_dim3A_18 = vector.shape_cast %reduce_sum3A_17 : vector<2048xf32> to vector<2048x1xf32>
    %sqrt3A_19 = math.sqrt %broadcast_in_dim3A_18 : vector<2048x1xf32>
    %max3A_20 = arith.constant 9.99999993E-9 : f32
    %max3A_21 = vector.broadcast %max3A_20 : f32 to vector<2048x1xf32>
    %max3A_22 = arith.maximumf %sqrt3A_19, %max3A_21 : vector<2048x1xf32>
    %div3A_23 = vector.broadcast %max3A_22 : vector<2048x1xf32> to vector<2048x128xf32>
    %div3A_24 = arith.divf %mul3A_9, %div3A_23 : vector<2048x128xf32>
    %get3A_25 = arith.constant 0 : index
    %get3A_26 = arith.constant 0 : index
    %get3A_27 = vector.load %arg2[%get3A_25, %get3A_26] : memref<2048x128xf32, #tpu.memory_space<vmem>>, vector<2048x128xf32>
    %dot_general3A = arith.constant dense<0.000000e+00> : vector<128x128xf32>
    %dot_general3A_28 = tpu.matmul %div3A_24, %get3A_27, %dot_general3A {dimension_numbers = #tpu.dot_dimension_numbers<[0], [0], [1], [1], [0, 1, 1, 1], [], []>, transpose_lhs_hint = false} : vector<2048x128xf32>, vector<2048x128xf32>, vector<128x128xf32> -> vector<128x128xf32>
    %dot_general3A_29 = arith.constant dense<0.000000e+00> : vector<2048x128xf32>
    %dot_general3A_30 = tpu.matmul %div3A_14, %dot_general3A_28, %dot_general3A_29 {dimension_numbers = #tpu.dot_dimension_numbers<[1], [0], [0], [1], [0, 0, 1, 1], [], []>, transpose_lhs_hint = false} : vector<2048x128xf32>, vector<128x128xf32>, vector<2048x128xf32> -> vector<2048x128xf32>
    %max3A_31 = arith.constant 0.000000e+00 : f32
    %max3A_32 = vector.broadcast %max3A_31 : f32 to vector<2048x128xf32>
    %max3A_33 = arith.maximumf %dot_general3A_30, %max3A_32 : vector<2048x128xf32>
    %get3A_34 = arith.constant 0 : index
    %get3A_35 = arith.constant 0 : index
    %get3A_36 = vector.load %arg3[%get3A_34, %get3A_35] : memref<2048x128xf32, #tpu.memory_space<vmem>>, vector<2048x128xf32>
    %add3A = arith.addf %max3A_33, %get3A_36 : vector<2048x128xf32>
    %swap3A = arith.constant 0 : index
    %swap3A_37 = arith.constant 0 : index
    %swap3A_38 = vector.load %arg4[%swap3A, %swap3A_37] : memref<2048x128xf32, #tpu.memory_space<vmem>>, vector<2048x128xf32>
    tpu.vector_store %arg4[%swap3A, %swap3A_37], %add3A {strides = array<i32>} : memref<2048x128xf32, #tpu.memory_space<vmem>>, vector<2048x128xf32>,
    return
  }
}

</mosaic_0001>

<sc_bundles>
// kernel: kernel.12.cloned.1.call-start
scs
__scs_entry_jumppad:
0x0: {  	(pc) =	sbr.rel $0x88, $3  }
0x1: {  	(tag) =	ssettag $0x0;
	lr =	simm.s32 $0x1  }
0x2: {  	[smem:$0x3F97] =	sst lr;
	_ =	strace $0xD0000000  }
0x3: {  	_ = 	snop  }
0x4: {  	_ = 	snop  }
0x5: {  	_ = 	snop  }
0x6: {  	_ = 	snop  }
0x7: {  	_ = 	snop  }
__scs_overlays_trampoline_lowered:
0x8: {  	[smem:$0x3FA6] =	sst s0  }
0x9: {  	[smem:$0x3FA7] =	sst s1  }
0xa: {  	[smem:$0x3FA8] =	sst s2  }
0xb: {  	[smem:$0x3FA9] =	sst s3  }
0xc: {  	[smem:$0x3FAA] =	sst s4  }
0xd: {  	[smem:$0x3FAB] =	sst s5  }
0xe: {  	[smem:$0x3FAC] =	sst s6  }
0xf: {  	[smem:$0x3FAD] =	sst s7  }
0x10: {  	[smem:$0x3FAE] =	sst s8  }
0x11: {  	[smem:$0x3FAF] =	sst s9;
	s0 =	simm.s32 @!p0 $0x0  }
0x12: {  	s1 =	sld [smem:$0x3F95];
	s0 =	simm.s32 @p0 $0x1  }
0x13: {  	[smem:$0x3FB0] =	sst s0;
	s0 =	simm.s32 @!p1 $0x0  }
0x14: {  	s2 =	sld [smem:$0x3F94];
	s0 =	simm.s32 @p1 $0x1  }
0x15: {  	[smem:$0x3FB1] =	sst s0;
	s0 =	simm.s32 @!p2 $0x0  }
0x16: {  	s3 =	sld [smem:$0x3FDB];
	s0 =	simm.s32 @p2 $0x1  }
0x17: {  	s4 =	simm.s32 $0x1BF5;
	[smem:$0x3FB3] =	sst s0  }
0x18: {  	s0 =	sld [smem:$0x3F96];
	_ =	swait.ge [sflag:s4], $0x0  }
0x19: {  	s7 =	sld [smem:$0x3F97]  }
0x1a: {  	s8 =	sadd.s32 $0xFFFFE003, lr  }
0x1b: {  	s9 =	sadd.s32 $0xFFFFFEF7, lr;
	s5 =	simm.s32 $0xFFFFFFFF;
	p2 =	slt.u32 s8, $0xFFFFF086  }
0x1c: {  	p1 =	slt.u32 s9, $0xF7A;
	s5 =	simm.s32 @!p2 $0x0  }
0x1d: {  	s5 =	simm.s32 @p1 $0x1;
	p0 =	seq.s32 s7, s2  }
0x1e: {  	s7 =	smul.u32 @!p0 $0xF7A, s2;
	p2 =	seq.s32 @!p0 s5, $0x0  }
0x1f: {  	s9 =	smul.u32 $0xF7A, s1;
	s8 =	simm.s32 @!p0 $0x1BF5;
	p2 =	por !p2, p0  }
0x20: {  	[sflag:s8] =	ssyncset.s32 @!p0 $0xFFFFF086;
	s6 =	sadd.s32 @!p0 s3, s7;
	s7 =	simm.s32 @!p0 $0x108  }
0x21: {  	s3 =	sadd.s32 s3, s9;
	s6 =	sadd.s32 @!p0 $0x88, s6;
	s7 =	simm.s32 @p2 $0x1082  }
0x22: {  	[simem:s7], [sflag:s8] =	dma.local @!p0 [hbm:s6], $0xF7A  }
0x23: {  	s9 =	sor.u32 $0xD0000000, s2;
	s6 =	simm.s32 $0x108;
	_ =	swait.ge @!p0 [sflag:s8], $0x0  }
0x24: {  	s3 =	sadd.s32 $0x88, s3;
	s6 =	simm.s32 @!p1 $0x1082;
	[sflag:s4] =	ssyncset.s32 $0xFFFFF086  }
0x25: {  	[simem:s6], [sflag:s4] =	dma.local [hbm:s3], $0xF7A  }
0x26: {  	[smem:$0x3F97] =	sst s1;
	(tag) =	ssettag s2;
	_ =	strace s9  }
0x27: {  	s1 =	sld [smem:$0x3FA7]  }
0x28: {  	s2 =	sld [smem:$0x3FA8]  }
0x29: {  	s4 =	sld [smem:$0x3FAA]  }
0x2a: {  	p0 =	seq.s32 s5, $0x0;
	s5 =	sld [smem:$0x3FAB]  }
0x2b: {  	s6 =	sld [smem:$0x3FAC]  }
0x2c: {  	s7 =	sld [smem:$0x3FAD]  }
0x2d: {  	s3 =	simm.s32 $0x108;
	s8 =	sld [smem:$0x3FAE]  }
0x2e: {  	s3 =	simm.s32 @!p0 $0x1082;
	s9 =	sld [smem:$0x3FAF]  }
0x2f: {  	lr =	sadd.s32 s0, s3;
	s0 =	sld [smem:$0x3FA6]  }
0x30: {  	s3 =	sld [smem:$0x3FA9]  }
0x31: {  	[smem:$0x3FB2] =	sst s10  }
0x32: {  	s10 =	sld [smem:$0x3FB0];
	_ =	sdelay $0x3  }
0x33: {  	p0 =	seq.s32 s10, $0x1;
	s10 =	sld [smem:$0x3FB2];
	_ =	sdelay $0x3  }
0x34: {  	[smem:$0x3FB2] =	sst s10  }
0x35: {  	s10 =	sld [smem:$0x3FB1];
	_ =	sdelay $0x3  }
0x36: {  	p1 =	seq.s32 s10, $0x1;
	s10 =	sld [smem:$0x3FB2];
	_ =	sdelay $0x3  }
0x37: {  	[smem:$0x3FB2] =	sst s10  }
0x38: {  	s10 =	sld [smem:$0x3FB3]  }
0x39: {  	_ = 	snop;
	(pc) =	sbr.ind lr, $3  }
0x3a: {  	_ = 	snop  }
0x3b: {  	_ = 	snop  }
0x3c: {  	p2 =	seq.s32 s10, $0x1;
	s10 =	sld [smem:$0x3FB2]  }
0x3d: {  	_ =	shalt  }
0x3e: {  	_ =	shalt  }
0x3f: {  	_ =	shalt  }
0x40: {  	_ =	shalt  }
0x41: {  	_ =	shalt  }
0x42: {  	_ =	shalt  }
0x43: {  	_ =	shalt  }
0x44: {  	_ =	shalt  }
0x45: {  	_ =	shalt  }
0x46: {  	_ =	shalt  }
0x47: {  	_ =	shalt  }
0x48: {  	_ =	shalt  }
0x49: {  	_ =	shalt  }
0x4a: {  	_ =	shalt  }
0x4b: {  	_ =	shalt  }
0x4c: {  	_ =	shalt  }
0x4d: {  	_ =	shalt  }
0x4e: {  	_ =	shalt  }
0x4f: {  	_ =	shalt  }
0x50: {  	_ =	shalt  }
0x51: {  	_ =	shalt  }
0x52: {  	_ =	shalt  }
0x53: {  	_ =	shalt  }
0x54: {  	_ =	shalt  }
0x55: {  	_ =	shalt  }
0x56: {  	_ =	shalt  }
0x57: {  	_ =	shalt  }
0x58: {  	_ =	shalt  }
0x59: {  	_ =	shalt  }
0x5a: {  	_ =	shalt  }
0x5b: {  	_ =	shalt  }
0x5c: {  	_ =	shalt  }
0x5d: {  	_ =	shalt  }
0x5e: {  	_ =	shalt  }
0x5f: {  	_ =	shalt  }
0x60: {  	_ =	shalt  }
0x61: {  	_ =	shalt  }
0x62: {  	_ =	shalt  }
0x63: {  	_ =	shalt  }
0x64: {  	_ =	shalt  }
0x65: {  	_ =	shalt  }
0x66: {  	_ =	shalt  }
0x67: {  	_ =	shalt  }
0x68: {  	_ =	shalt  }
0x69: {  	_ =	shalt  }
0x6a: {  	_ =	shalt  }
0x6b: {  	_ =	shalt  }
0x6c: {  	_ =	shalt  }
0x6d: {  	_ =	shalt  }
0x6e: {  	_ =	shalt  }
0x6f: {  	_ =	shalt  }
0x70: {  	_ =	shalt  }
0x71: {  	_ =	shalt  }
0x72: {  	_ =	shalt  }
0x73: {  	_ =	shalt  }
0x74: {  	_ =	shalt  }
0x75: {  	_ =	shalt  }
0x76: {  	_ =	shalt  }
0x77: {  	_ =	shalt  }
0x78: {  	_ =	shalt  }
0x79: {  	_ =	shalt  }
0x7a: {  	_ =	shalt  }
0x7b: {  	_ =	shalt  }
0x7c: {  	_ =	shalt  }
0x7d: {  	_ =	shalt  }
0x7e: {  	_ =	shalt  }
0x7f: {  	_ =	shalt  }
0x80: {  	_ =	shalt  }
0x81: {  	_ =	shalt  }
0x82: {  	_ =	shalt  }
0x83: {  	_ =	shalt  }
0x84: {  	_ =	shalt  }
0x85: {  	_ =	shalt  }
0x86: {  	_ =	shalt  }
0x87: {  	_ =	shalt  }
.Lfunc_end0:
.L_simem_size_0:
called_computation_lowered:
.L_overlay_start_0:
0x88: {  	s2 =	sld [smem:$0x3FD9]  }
0x89: {  	s3 =	sld [smem:$0x3FFE];
	_ =	sdelay $0x1  }
0x8a: {  	s1 =	srdreg.scid  }
0x8b: {  	s0 =	sand.u32 $0x1, s1  }
0x8c: {  	s14 =	sshll.u32 s0, $0xA;
	s2 =	sadd.s32 s3, s2  }
0x8d: {  	s2 =	sadd.s32 s2, s14  }
0x8e: {  	[smem:$0x3FBE] =	sst s2  }
0x8f: {  	_ = 	snop  }
0x90: {  	s2 =	sld [smem:$0x3FD0];
	_ =	sdelay $0x2  }
0x91: {  	s15 =	simm.s32 $0xA;
	s4 =	simm.s32 $0x10  }
0x92: {  	[smem:s4], [sflag:s15] =	dma.local [hbm:s2], $0x1  }
0x93: {  	_ =	swait.eq [sflag:s15], $0x1  }
0x94: {  	s16 =	sld [smem:$0x10]  }
0x95: {  	s17 =	sld [smem:$0x12];
	[sflag:s15] =	ssyncset.done $0x0  }
0x96: {  	s5 =	sld [smem:$0x14];
	[sflag:s15] =	ssyncadd.s32 $0xFFFFFFFF  }
0x97: {  	s18 =	sld [smem:$0x16];
	(tm) =	ssettm $0x1  }
0x98: {  	s6 =	sld [smem:$0x3FFB];
	_ =	sdelay $0x3  }
0x99: {  	_ =	strace s6  }
0x9a: {  	s6 =	sld [smem:$0x3FFC];
	_ =	sdelay $0x3  }
0x9b: {  	_ =	strace s6  }
0x9c: {  	s6 =	sld [smem:$0x3FFD];
	_ =	sdelay $0x3  }
0x9d: {  	_ =	strace s6  }
0x9e: {  	_ =	strace $0x8FFFFFFF  }
0x9f: {  	s19 =	sld [smem:$0x3FDB];
	_ =	sdelay $0x1  }
0xa0: {  	s7 =	simm.s32 $_scs_section_size  }
0xa1: {  	s8 =	simm.s32 $_size__tile_overlayer_lowered;
	s9 =	simm.s32 $_tile_overlayer_lowered  }
0xa2: {  	s22 =	simm.s32 $0x1BFF;
	s21 =	sshll.u32 s9, $0x1;
	s6 =	sadd.s32 s7, s19  }
0xa3: {  	s10 =	simm.s32 $0x0;
	s20 =	sshll.u32 s8, $0x1;
	s8 =	sadd.s32 s21, s6  }
0xa4: {  	[timem:s10], [sflag:s22] =	dma.local [hbm:s8], s20  }
0xa5: {  	_ =	swait.ge [sflag:s22], s20  }
0xa6: {  	s7 =	ssub.s32 $0x0, s20;
	[sflag:s22] =	ssyncset.done $0x0  }
0xa7: {  	[sflag:s22] =	ssyncadd.s32 s7;
	_ =	sdelay $0x1  }
0xa8: {  	s23 =	simm.s32 $0x1B8B  }
0xa9: {  	_ =	swait.ge [sflag:s23], $0x1  }
0xaa: {  	[sflag:s23] =	ssyncset.done $0x0  }
0xab: {  	s25 =	simm.s32 $0x1B8E;
	s24 =	sld [smem:$0x3FFE];
	[sflag:s23] =	ssyncadd.s32 $0xFFFFFFFF  }
0xac: {  	s26 =	simm.s32 $execute0_lowered;
	[smem:$0x3FD2] =	sst s25  }
0xad: {  	s8 =	sshll.u32 s26, $0x1;
	_ =	strace $0x80000046;
	[dreg:$0x1] =	wrdreg $0xFFFFFFFF  }
0xae: {  	s28 =	simm.s32 $_size_execute0_lowered;
	s6 =	sadd.s32 s6, s8;
	[dreg:$0x0] =	wrdreg $0x0  }
0xaf: {  	s8 =	sshll.u32 s28, $0x1;
	[dreg:$0x2] =	wrdreg s6  }
0xb0: {  	[dreg:$0x3] =	wrdreg s8  }
0xb1: {  	[dreg:$0x4] =	wrdreg $0xC0  }
0xb2: {  	_ =	task [dreg:s10], $0x5FFFF  }
0xb3: {  	[dreg:$0x1] =	wrdreg $0xFFFFFFFF  }
0xb4: {  	[dreg:$0x0] =	wrdreg $0x60  }
0xb5: {  	[dreg:$0x2] =	wrdreg s16  }
0xb6: {  	[dreg:$0x3] =	wrdreg s17  }
0xb7: {  	[dreg:$0x4] =	wrdreg s24  }
0xb8: {  	[dreg:$0x5] =	wrdreg s18  }
0xb9: {  	[dreg:$0x6] =	wrdreg s5  }
0xba: {  	[dreg:$0x7] =	wrdreg $0x0  }
0xbb: {  	[dreg:$0x8] =	wrdreg $0x9  }
0xbc: {  	_ =	task.clear_ibuf [dreg:s10], $0x9FFFF;
	_ =	strace $0x90000046  }
0xbd: {  	s29 =	simm.s32 $0x9;
	_ =	strace $0x80000048  }
0xbe: {  	_ =	swait.ge [sflag:s29], $0x1  }
0xbf: {  	[sflag:s29] =	ssyncadd.s32 $0xFFFFFFFF  }
0xc0: {  	_ =	strace $0x90000048  }
0xc1: {  	_ =	sfence  }
0xc2: {  	s30 =	sld [smem:$0x0];
	_ =	sdelay $0x2  }
0xc3: {  	s31 =	sshll.u32 s1, $0xD;
	s1 =	sshrl.u32 s1, $0x2  }
0xc4: {  	s3 =	sand.u32 $0x4000, s31;
	s1 =	sadd.s32 s1, s30  }
0xc5: {  	s0 =	sor.u32 s3, s0;
	s1 =	sshll.u32 s1, $0x11  }
0xc6: {  	s0 =	sor.u32 s1, s0  }
0xc7: {  	s0 =	sadd.s32 $0x8F2B, s0  }
0xc8: {  	[sflag:s0] =	ssyncadd.remote.s32 $0x1  }
0xc9: {  	_ =	sfence.sel $0xFFFF  }
0xca: {  	[dreg:$0x0] =	wrdreg $0xFFFFFFFF;
	(pc) =	sbr.abs _section_cstart, $3  }
0xcb: {  	[dreg:$0x1] =	wrdreg $0xFFFFFFFF  }
0xcc: {  	_ =	task.clear_ibuf [dreg:s10], $0x2FFFF;
	_ =	strace $0x9FFFFFFF  }
0xcd: {  	(tm) =	ssettm $0x7FFFFFFF  }
tec
execute0_lowered:
.L_overlay_start_1:
0x0: {  	(tag) =	ssettag $0x1  }
0x1: {  	s0 =	rddreg [dreg:$0x0]  }
0x2: {  	s8 =	rddreg [dreg:$0x1]  }
0x3: {  	s5 =	rddreg [dreg:$0x2]  }
0x4: {  	s2 =	rddreg [dreg:$0x3]  }
0x5: {  	s6 =	rddreg [dreg:$0x4]  }
0x6: {  	s3 =	rddreg [dreg:$0x5];
	s1 =	stileid.u32  }
0x7: {  	s4 =	simm.s32 $0x0;
	s9 =	srdreg.scid;
	s17 =	simm.s32 $0xA000  }
0x8: {  	s18 =	simm.s32 $0xB000;
	s19 =	simm.s32 $0x80;
	s20 =	simm.s32 $0xF000  }
0x9: {  	s21 =	simm.s32 $0x1;
	s22 =	simm.s32 $0x2;
	s23 =	simm.s32 $0x0  }
0xa: {  	s7 =	sshll.u32 s1, $0x4;
	[smem:$0x7FF] =	sst s4;
	s9 =	sand.u32 $0x1, s9  }
0xb: {  	s11 =	sshll.u32 s1, $0xC;
	s13 =	sshll.u32 s1, $0xF;
	s28 =	sshll.u32 s1, $0x6  }
0xc: {  	s16 =	sshll.u32 s1, $0x9;
	s7 =	sand.u32 $0x70, s7;
	_ =	strace $0x80000047  }
0xd: {  	s26 =	ssub.s32 $0x2, s9;
	s14 =	sadd.s32 s11, s5;
	s13 =	sadd.s32 s13, s3  }
0xe: {  	s15 =	sshll.u32 s9, $0xD;
	s9 =	sshll.u32 s9, $0x10;
	s10 =	sadd.s32 s7, s5  }
0xf: {  	s12 =	sshrl.u32 s26, $0x1;
	s5 =	sadd.s32 s6, s11;
	s6 =	sor.u32 $0x1C03, s28  }
0x10: {  	s29 =	sor.u32 s16, s15;
	s31 =	sadd.s32 s9, s14;
	s14 =	simm.s32 $0x8000  }
0x11: {  	s15 =	simm.s32 $0x9000;
	s16 =	simm.s32 $0x400;
	s12 =	ssub.s32 s26, s12  }
0x12: {  	s7 =	sadd.s32 s0, s29;
	s30 =	sand.u32 $0x3000, s29;
	s8 =	sadd.s32 s8, s29  }
0x13: {  	s0 =	sadd.s32 s30, s10;
	s10 =	sadd.s32 $0x7800, s31;
	s11 =	smax.u32 s12, $0x1  }
0x14: {  	s12 =	sshrl.u32 s13, $0x3;
	s13 =	simm.s32 $0x3;
	s9 =	sadd.s32 $0x3800, s0  }
.LBB2_1:
0x15: {  	[spmem:s12], [sflag:s6] =	dma.local [hbm:s5], $0x1000  }
0x16: {  	_ =	swait.ge [sflag:s13], $0x1000  }
0x17: {  	[sflag:s13] =	ssyncset.done $0x0  }
0x18: {  	[sflag:s13] =	ssyncadd.s32 $0xFFFFF000  }
0x19: {  	[tilespmem:s14], [sflag:$0x3] =	stream.linear.gather [hbm4b:s7+s4], $0x1000, $0x38;
	[tilespmem:$0x13000] =	vst v63  }
0x1a: {  	_ =	swait.ge [sflag:s13], $0x1000  }
0x1b: {  	[sflag:s13] =	ssyncset.done $0x0  }
0x1c: {  	[sflag:s13] =	ssyncadd.s32 $0xFFFFF000  }
0x1d: {  	[tilespmem:s15], [sflag:$0x3] =	stream.linear.gather [hbm4b:s8+s4], $0x1000, $0x38;
	[tilespmem:$0x13000] =	vst v63  }
0x1e: {  	_ =	swait.ge [sflag:s13], $0x1000  }
0x1f: {  	[sflag:s13] =	ssyncset.done $0x0  }
0x20: {  	[sflag:s13] =	ssyncadd.s32 $0xFFFFF000  }
0x21: {  	[tilespmem:s17], [sflag:$0x3] =	stream.strided.gather [hbm4b:s9+s19], $0x1000, s16, s19, $0x38;
	[tilespmem:$0x13000] =	vst v63  }
0x22: {  	_ =	swait.ge [sflag:s13], $0x1000  }
0x23: {  	[sflag:s13] =	ssyncset.done $0x0  }
0x24: {  	s24 =	simm.s32 $0x80;
	[sflag:s13] =	ssyncadd.s32 $0xFFFFF000  }
0x25: {  	s25 =	simm.s32 $0x0;
	s26 =	simm.s32 $0x0;
	[bflag:$0x0] =	sbarrier.arrive $0xFFFF  }
0x26: {  	[tilespmem:s18], [sflag:$0x1] =	stream.indirect.gather [hbm4b:s2+s19], $0x80, s15, s19, $0xb8;
	[tilespmem:$0x13000] =	vst v63  }
.LBB2_2:
0x27: {  	s0 =	sshll.u32 s26, $0xA  }
0x28: {  	s28 =	sor.u32 $0x200, s0  }
0x29: {  	s0 =	sshrl.u32 s28, $0x2  }
0x2a: {  	s0 =	sadd.s32 $0x9000, s0  }
0x2b: {  	[tilespmem:s20], [sflag:$0x2] =	stream.indirect.gather [hbm4b:s2+s19], $0x80, s0, s19, $0xb8;
	[tilespmem:$0x13000] =	vst v63  }
0x2c: {  	s1 =	sadd.s32 $0x0, s25;
	_ =	swait.ge [sflag:s21], $0x4000  }
0x2d: {  	v0 =	vmov s1;
	[sflag:s21] =	ssyncset.done $0x0  }
0x2e: {  	s29 =	simm.s32 $0xB040;
	[sflag:s21] =	ssyncadd.s32 $0xFFFFC000  }
0x2f: {  	v4 =	vld [tilespmem:s29+$0x30]  }
0x30: {  	v7 =	vld [tilespmem:s29+$0x10]  }
0x31: {  	v5 =	vld [tilespmem:s29+$0xFFFFFFC0]  }
0x32: {  	v1 =	vld.idx.msk [tilespmem:v0+s17+$0x0], $0xffff  }
0x33: {  	v9 =	vld [tilespmem:s29+$0xFFFFFFE0]  }
0x34: {  	v0 =	vld [tilespmem:s29+$0xFFFFFFF0]  }
0x35: {  	v2 =	vld [tilespmem:s29+$0x20]  }
0x36: {  	v3 =	vld [tilespmem:s29+$0xFFFFFFD0]  }
0x37: {  	v8 =	vmul.f32 v4, v1;
	v4 =	vld [tilespmem:s29+$0x0]  }
0x38: {  	v6 =	vmul.f32 v5, v1  }
0x39: {  	s30 =	sshll.u32 s26, $0x1;
	s31 =	simm.s32 $0x1;
	s0 =	simm.s32 $0xB040;
	v5 =	vmul.f32 v9, v1;
	v7 =	vmul.f32 v7, v1  }
.LBB2_3:
0x3a: {  	p0 =	sne.s32 s31, $0x7F  }
0x3b: {  	v3 =	vmul.f32 v3, v1;
	v2 =	vmul.f32 v2, v1;
	[tilespmem:s29+$0x30] =	vst v8;
	s0 =	sadd.s32 $0x80, s0;
	s1 =	smov.u32 s31;
	s31 =	sadd.s32 $0x1, s31  }
0x3c: {  	[tilespmem:s29+$0xFFFFFFC0] =	vst v6;
	v6 =	vmul.f32 v0, v1;
	v1 =	vmul.f32 v4, v1  }
0x3d: {  	s1 =	sadd.s32 s1, s25;
	[tilespmem:s29+$0x10] =	vst v7  }
0x3e: {  	v4 =	vmov s1;
	[tilespmem:s29+$0xFFFFFFE0] =	vst v5  }
0x3f: {  	v0 =	vld [tilespmem:s0+$0xFFFFFFF0];
	[tilespmem:s29+$0xFFFFFFF0] =	vst v6  }
0x40: {  	v5 =	vld [tilespmem:s0+$0x30];
	[tilespmem:s29+$0x0] =	vst v1  }
0x41: {  	v7 =	vld [tilespmem:s0+$0x10];
	[tilespmem:s29+$0x20] =	vst v2  }
0x42: {  	v6 =	vld [tilespmem:s0+$0xFFFFFFC0];
	[tilespmem:s29+$0xFFFFFFD0] =	vst v3;
	s29 =	smov.u32 s0  }
0x43: {  	v1 =	vld.idx.msk [tilespmem:v4+s17+$0x0], $0xffff  }
0x44: {  	v9 =	vld [tilespmem:s0+$0xFFFFFFE0]  }
0x45: {  	v2 =	vld [tilespmem:s0+$0x20]  }
.Ltmp0:
0x46: {  	v3 =	vld [tilespmem:s0+$0xFFFFFFD0];
	(pc) =	sbr.rel @p0 .LBB2_3-.Ltmp0, $3  }
0x47: {  	v4 =	vld [tilespmem:s0+$0x0];
	_ =	sdelay $0x1  }
0x48: {  	v6 =	vmul.f32 v6, v1;
	v8 =	vmul.f32 v5, v1  }
0x49: {  	v7 =	vmul.f32 v7, v1;
	v5 =	vmul.f32 v9, v1  }
0x4a: {  	[tilespmem:s29+$0x30] =	vst v8  }
0x4b: {  	[tilespmem:s29+$0xFFFFFFC0] =	vst v6  }
0x4c: {  	v0 =	vmul.f32 v0, v1;
	[tilespmem:s29+$0x10] =	vst v7  }
0x4d: {  	v2 =	vmul.f32 v2, v1;
	[tilespmem:s29+$0xFFFFFFE0] =	vst v5  }
0x4e: {  	v4 =	vmul.f32 v4, v1;
	[tilespmem:s29+$0xFFFFFFF0] =	vst v0  }
0x4f: {  	s0 =	sshll.u32 s26, $0x8;
	v0 =	vmul.f32 v3, v1;
	[tilespmem:s29+$0x20] =	vst v2  }
0x50: {  	s0 =	sand.u32 $0x3FFFFF00, s0;
	[tilespmem:s29+$0x0] =	vst v4  }
0x51: {  	s0 =	sadd.s32 $0x8000, s0;
	[tilespmem:s29+$0xFFFFFFD0] =	vst v0  }
0x52: {  	[spmem:s3] =	stream.indirect.scatter.add.f32 [tilespmem:s18], [sflag:$0x3], $0x80, s0, s19, $0xb8;
	[tilespmem:$0x13000] =	vst v63  }
0x53: {  	s1 =	smin.u32 s30, $0x1D;
	_ =	swait.ge [sflag:s13], $0x4000  }
0x54: {  	s0 =	sshll.u32 s1, $0x7;
	[sflag:s13] =	ssyncset.done $0x0  }
0x55: {  	s0 =	sadd.s32 $0x9100, s0;
	[sflag:s13] =	ssyncadd.s32 $0xFFFFC000  }
0x56: {  	[tilespmem:s18], [sflag:$0x1] =	stream.indirect.gather [hbm4b:s2+s19], $0x80, s0, s19, $0xb8;
	[tilespmem:$0x13000] =	vst v63  }
0x57: {  	s31 =	sadd.s32 $0x0, s24;
	_ =	swait.ge [sflag:s22], $0x4000  }
0x58: {  	v0 =	vmov s31;
	[sflag:s22] =	ssyncset.done $0x0  }
0x59: {  	s29 =	simm.s32 $0xF040;
	[sflag:s22] =	ssyncadd.s32 $0xFFFFC000  }
0x5a: {  	v4 =	vld [tilespmem:s29+$0x30]  }
0x5b: {  	v7 =	vld [tilespmem:s29+$0x10]  }
0x5c: {  	v5 =	vld [tilespmem:s29+$0xFFFFFFC0]  }
0x5d: {  	v1 =	vld.idx.msk [tilespmem:v0+s17+$0x0], $0xffff  }
0x5e: {  	v9 =	vld [tilespmem:s29+$0xFFFFFFE0]  }
0x5f: {  	v0 =	vld [tilespmem:s29+$0xFFFFFFF0]  }
0x60: {  	v2 =	vld [tilespmem:s29+$0x20]  }
0x61: {  	v3 =	vld [tilespmem:s29+$0xFFFFFFD0]  }
0x62: {  	v8 =	vmul.f32 v4, v1;
	v4 =	vld [tilespmem:s29+$0x0]  }
0x63: {  	v6 =	vmul.f32 v5, v1  }
0x64: {  	s30 =	simm.s32 $0x1;
	s0 =	simm.s32 $0xF040;
	v5 =	vmul.f32 v9, v1;
	v7 =	vmul.f32 v7, v1  }
.LBB2_5:
0x65: {  	p0 =	sne.s32 s30, $0x7F  }
0x66: {  	v3 =	vmul.f32 v3, v1;
	v2 =	vmul.f32 v2, v1;
	[tilespmem:s29+$0x30] =	vst v8;
	s0 =	sadd.s32 $0x80, s0;
	s1 =	smov.u32 s30;
	s30 =	sadd.s32 $0x1, s30  }
0x67: {  	[tilespmem:s29+$0xFFFFFFC0] =	vst v6;
	v6 =	vmul.f32 v0, v1;
	v1 =	vmul.f32 v4, v1  }
0x68: {  	s1 =	sadd.s32 s1, s24;
	[tilespmem:s29+$0x10] =	vst v7  }
0x69: {  	v4 =	vmov s1;
	[tilespmem:s29+$0xFFFFFFE0] =	vst v5  }
0x6a: {  	v0 =	vld [tilespmem:s0+$0xFFFFFFF0];
	[tilespmem:s29+$0xFFFFFFF0] =	vst v6  }
0x6b: {  	v5 =	vld [tilespmem:s0+$0x30];
	[tilespmem:s29+$0x0] =	vst v1  }
0x6c: {  	v7 =	vld [tilespmem:s0+$0x10];
	[tilespmem:s29+$0x20] =	vst v2  }
0x6d: {  	v6 =	vld [tilespmem:s0+$0xFFFFFFC0];
	[tilespmem:s29+$0xFFFFFFD0] =	vst v3;
	s29 =	smov.u32 s0  }
0x6e: {  	v1 =	vld.idx.msk [tilespmem:v4+s17+$0x0], $0xffff  }
0x6f: {  	v9 =	vld [tilespmem:s0+$0xFFFFFFE0]  }
0x70: {  	v2 =	vld [tilespmem:s0+$0x20]  }
.Ltmp1:
0x71: {  	v3 =	vld [tilespmem:s0+$0xFFFFFFD0];
	(pc) =	sbr.rel @p0 .LBB2_5-.Ltmp1, $3  }
0x72: {  	v4 =	vld [tilespmem:s0+$0x0];
	_ =	sdelay $0x1  }
0x73: {  	v6 =	vmul.f32 v6, v1;
	v8 =	vmul.f32 v5, v1  }
0x74: {  	v7 =	vmul.f32 v7, v1;
	v5 =	vmul.f32 v9, v1  }
0x75: {  	[tilespmem:s29+$0x30] =	vst v8  }
0x76: {  	[tilespmem:s29+$0xFFFFFFC0] =	vst v6  }
0x77: {  	v0 =	vmul.f32 v0, v1;
	[tilespmem:s29+$0x10] =	vst v7  }
0x78: {  	v2 =	vmul.f32 v2, v1;
	[tilespmem:s29+$0xFFFFFFE0] =	vst v5  }
0x79: {  	v63 =	vmul.f32 v3, v1;
	[tilespmem:s29+$0xFFFFFFF0] =	vst v0  }
0x7a: {  	s26 =	sadd.s32 $0x1, s26;
	v4 =	vmul.f32 v4, v1;
	[tilespmem:s29+$0x20] =	vst v2  }
0x7b: {  	s0 =	sshra.s32 s28, $0x2;
	p0 =	sne.s32 s26, $0x10;
	[tilespmem:s29+$0xFFFFFFD0] =	vst v63  }
.Ltmp2:
0x7c: {  	s0 =	sadd.s32 $0x8000, s0;
	[tilespmem:s29+$0x0] =	vst v4;
	(pc) =	sbr.rel @p0 .LBB2_2-.Ltmp2, $4  }
0x7d: {  	[spmem:s3] =	stream.indirect.scatter.add.f32 [tilespmem:s20], [sflag:$0x3], $0x80, s0, s19, $0xb8;
	[tilespmem:$0x13000] =	vst v63  }
0x7e: {  	_ =	swait.ge [sflag:s13], $0x4000  }
0x7f: {  	[sflag:s13] =	ssyncset.done $0x0  }
0x80: {  	s25 =	sadd.s32 $0x100, s25;
	s24 =	sadd.s32 $0x100, s24;
	[sflag:s13] =	ssyncadd.s32 $0xFFFFC000  }
0x81: {  	_ =	swait.ge [sflag:s21], $0x4000  }
0x82: {  	s23 =	sadd.s32 $0x1, s23;
	[sflag:s21] =	ssyncset.done $0x0  }
0x83: {  	p0 =	sne.s32 s23, s11;
	[sflag:s21] =	ssyncadd.s32 $0xFFFFC000  }
.Ltmp3:
0x84: {  	[bflag:$0x0] =	sbarrier.arrive $0xFFFF;
	(pc) =	sbr.rel @p0 .LBB2_1-.Ltmp3, $4  }
0x85: {  	[hbm:s10], [sflag:s6] =	dma.local [spmem:s12], $0x1000  }
0x86: {  	_ =	swait.ge [sflag:s13], $0x1000  }
0x87: {  	[sflag:s13] =	ssyncset.done $0x0  }
0x88: {  	[sflag:s13] =	ssyncadd.s32 $0xFFFFF000  }
0x89: {  	_ =	sfence.sel $0x180000  }
0x8a: {  	[bflag:$0x0] =	sbarrier.arrive $0xFFFF  }
0x8b: {  	_ =	strace $0x90000047  }
0x8c: {  	s0 =	stileid.u32;
	[bflag:$0x2] =	sbarrier.arrive $0xFFFF  }
0x8d: {  	p0 =	sne.s32 s0, $0x0;
	s0 =	rddreg [dreg:$0x6]  }
0x8e: {  	s0 =	sadd.s32 @!p0 $0x100000, s0  }
0x8f: {  	[sflag:s0] =	ssyncadd.tile.s32 @!p0 $0x1;
	_ =	shalt  }
.Lfunc_end2:
_tile_overlayer_lowered:
.L_overlay_start_2:
0x90: {  	(tag) =	ssettag $0x2  }
0x91: {  	s0 =	rddreg [dreg:$0x0];
	s2 =	stileid.u32  }
0x92: {  	s1 =	rddreg [dreg:$0x1];
	p0 =	sne.s32 s2, $0x0  }
0x93: {  	s3 =	rddreg [dreg:$0x2];
	[bflag:$0x3] =	sbarrier.arrive $0xFFFF;
	s2 =	simm.s32 @!p0 $0x1C03  }
0x94: {  	[timem:s3], [sflag:s2] =	dma.local @!p0 [hbm:s0], s1  }
0x95: {  	s0 =	simm.s32 @!p0 $0x3  }
0x96: {  	_ =	swait.ge @!p0 [sflag:s0], s1  }
0x97: {  	s1 =	ssub.s32 @!p0 $0x0, s1;
	[sflag:s0] =	ssyncset.done @!p0 $0x0  }
0x98: {  	[sflag:s0] =	ssyncadd.s32 @!p0 s1  }
0x99: {  	[bflag:$0x3] =	sbarrier.arrive $0xFFFF  }
0x9a: {  	_ =	shalt  }

// kernel: kernel.15.cloned.1.call-start
scs
__scs_entry_jumppad:
0x0: {  	(pc) =	sbr.rel $0x88, $3  }
0x1: {  	(tag) =	ssettag $0x0;
	lr =	simm.s32 $0x1  }
0x2: {  	[smem:$0x3F97] =	sst lr;
	_ =	strace $0xD0000000  }
0x3: {  	_ = 	snop  }
0x4: {  	_ = 	snop  }
0x5: {  	_ = 	snop  }
0x6: {  	_ = 	snop  }
0x7: {  	_ = 	snop  }
__scs_overlays_trampoline_lowered:
0x8: {  	[smem:$0x3FA6] =	sst s0  }
0x9: {  	[smem:$0x3FA7] =	sst s1  }
0xa: {  	[smem:$0x3FA8] =	sst s2  }
0xb: {  	[smem:$0x3FA9] =	sst s3  }
0xc: {  	[smem:$0x3FAA] =	sst s4  }
0xd: {  	[smem:$0x3FAB] =	sst s5  }
0xe: {  	[smem:$0x3FAC] =	sst s6  }
0xf: {  	[smem:$0x3FAD] =	sst s7  }
0x10: {  	[smem:$0x3FAE] =	sst s8  }
0x11: {  	[smem:$0x3FAF] =	sst s9;
	s0 =	simm.s32 @!p0 $0x0  }
0x12: {  	s1 =	sld [smem:$0x3F95];
	s0 =	simm.s32 @p0 $0x1  }
0x13: {  	[smem:$0x3FB0] =	sst s0;
	s0 =	simm.s32 @!p1 $0x0  }
0x14: {  	s2 =	sld [smem:$0x3F94];
	s0 =	simm.s32 @p1 $0x1  }
0x15: {  	[smem:$0x3FB1] =	sst s0;
	s0 =	simm.s32 @!p2 $0x0  }
0x16: {  	s3 =	sld [smem:$0x3FDB];
	s0 =	simm.s32 @p2 $0x1  }
0x17: {  	s4 =	simm.s32 $0x1BF5;
	[smem:$0x3FB3] =	sst s0  }
0x18: {  	s0 =	sld [smem:$0x3F96];
	_ =	swait.ge [sflag:s4], $0x0  }
0x19: {  	s7 =	sld [smem:$0x3F97]  }
0x1a: {  	s8 =	sadd.s32 $0xFFFFE003, lr  }
0x1b: {  	s9 =	sadd.s32 $0xFFFFFEF7, lr;
	s5 =	simm.s32 $0xFFFFFFFF;
	p2 =	slt.u32 s8, $0xFFFFF086  }
0x1c: {  	p1 =	slt.u32 s9, $0xF7A;
	s5 =	simm.s32 @!p2 $0x0  }
0x1d: {  	s5 =	simm.s32 @p1 $0x1;
	p0 =	seq.s32 s7, s2  }
0x1e: {  	s7 =	smul.u32 @!p0 $0xF7A, s2;
	p2 =	seq.s32 @!p0 s5, $0x0  }
0x1f: {  	s9 =	smul.u32 $0xF7A, s1;
	s8 =	simm.s32 @!p0 $0x1BF5;
	p2 =	por !p2, p0  }
0x20: {  	[sflag:s8] =	ssyncset.s32 @!p0 $0xFFFFF086;
	s6 =	sadd.s32 @!p0 s3, s7;
	s7 =	simm.s32 @!p0 $0x108  }
0x21: {  	s3 =	sadd.s32 s3, s9;
	s6 =	sadd.s32 @!p0 $0x88, s6;
	s7 =	simm.s32 @p2 $0x1082  }
0x22: {  	[simem:s7], [sflag:s8] =	dma.local @!p0 [hbm:s6], $0xF7A  }
0x23: {  	s9 =	sor.u32 $0xD0000000, s2;
	s6 =	simm.s32 $0x108;
	_ =	swait.ge @!p0 [sflag:s8], $0x0  }
0x24: {  	s3 =	sadd.s32 $0x88, s3;
	s6 =	simm.s32 @!p1 $0x1082;
	[sflag:s4] =	ssyncset.s32 $0xFFFFF086  }
0x25: {  	[simem:s6], [sflag:s4] =	dma.local [hbm:s3], $0xF7A  }
0x26: {  	[smem:$0x3F97] =	sst s1;
	(tag) =	ssettag s2;
	_ =	strace s9  }
0x27: {  	s1 =	sld [smem:$0x3FA7]  }
0x28: {  	s2 =	sld [smem:$0x3FA8]  }
0x29: {  	s4 =	sld [smem:$0x3FAA]  }
0x2a: {  	p0 =	seq.s32 s5, $0x0;
	s5 =	sld [smem:$0x3FAB]  }
0x2b: {  	s6 =	sld [smem:$0x3FAC]  }
0x2c: {  	s7 =	sld [smem:$0x3FAD]  }
0x2d: {  	s3 =	simm.s32 $0x108;
	s8 =	sld [smem:$0x3FAE]  }
0x2e: {  	s3 =	simm.s32 @!p0 $0x1082;
	s9 =	sld [smem:$0x3FAF]  }
0x2f: {  	lr =	sadd.s32 s0, s3;
	s0 =	sld [smem:$0x3FA6]  }
0x30: {  	s3 =	sld [smem:$0x3FA9]  }
0x31: {  	[smem:$0x3FB2] =	sst s10  }
0x32: {  	s10 =	sld [smem:$0x3FB0];
	_ =	sdelay $0x3  }
0x33: {  	p0 =	seq.s32 s10, $0x1;
	s10 =	sld [smem:$0x3FB2];
	_ =	sdelay $0x3  }
0x34: {  	[smem:$0x3FB2] =	sst s10  }
0x35: {  	s10 =	sld [smem:$0x3FB1];
	_ =	sdelay $0x3  }
0x36: {  	p1 =	seq.s32 s10, $0x1;
	s10 =	sld [smem:$0x3FB2];
	_ =	sdelay $0x3  }
0x37: {  	[smem:$0x3FB2] =	sst s10  }
0x38: {  	s10 =	sld [smem:$0x3FB3]  }
0x39: {  	_ = 	snop;
	(pc) =	sbr.ind lr, $3  }
0x3a: {  	_ = 	snop  }
0x3b: {  	_ = 	snop  }
0x3c: {  	p2 =	seq.s32 s10, $0x1;
	s10 =	sld [smem:$0x3FB2]  }
0x3d: {  	_ =	shalt  }
0x3e: {  	_ =	shalt  }
0x3f: {  	_ =	shalt  }
0x40: {  	_ =	shalt  }
0x41: {  	_ =	shalt  }
0x42: {  	_ =	shalt  }
0x43: {  	_ =	shalt  }
0x44: {  	_ =	shalt  }
0x45: {  	_ =	shalt  }
0x46: {  	_ =	shalt  }
0x47: {  	_ =	shalt  }
0x48: {  	_ =	shalt  }
0x49: {  	_ =	shalt  }
0x4a: {  	_ =	shalt  }
0x4b: {  	_ =	shalt  }
0x4c: {  	_ =	shalt  }
0x4d: {  	_ =	shalt  }
0x4e: {  	_ =	shalt  }
0x4f: {  	_ =	shalt  }
0x50: {  	_ =	shalt  }
0x51: {  	_ =	shalt  }
0x52: {  	_ =	shalt  }
0x53: {  	_ =	shalt  }
0x54: {  	_ =	shalt  }
0x55: {  	_ =	shalt  }
0x56: {  	_ =	shalt  }
0x57: {  	_ =	shalt  }
0x58: {  	_ =	shalt  }
0x59: {  	_ =	shalt  }
0x5a: {  	_ =	shalt  }
0x5b: {  	_ =	shalt  }
0x5c: {  	_ =	shalt  }
0x5d: {  	_ =	shalt  }
0x5e: {  	_ =	shalt  }
0x5f: {  	_ =	shalt  }
0x60: {  	_ =	shalt  }
0x61: {  	_ =	shalt  }
0x62: {  	_ =	shalt  }
0x63: {  	_ =	shalt  }
0x64: {  	_ =	shalt  }
0x65: {  	_ =	shalt  }
0x66: {  	_ =	shalt  }
0x67: {  	_ =	shalt  }
0x68: {  	_ =	shalt  }
0x69: {  	_ =	shalt  }
0x6a: {  	_ =	shalt  }
0x6b: {  	_ =	shalt  }
0x6c: {  	_ =	shalt  }
0x6d: {  	_ =	shalt  }
0x6e: {  	_ =	shalt  }
0x6f: {  	_ =	shalt  }
0x70: {  	_ =	shalt  }
0x71: {  	_ =	shalt  }
0x72: {  	_ =	shalt  }
0x73: {  	_ =	shalt  }
0x74: {  	_ =	shalt  }
0x75: {  	_ =	shalt  }
0x76: {  	_ =	shalt  }
0x77: {  	_ =	shalt  }
0x78: {  	_ =	shalt  }
0x79: {  	_ =	shalt  }
0x7a: {  	_ =	shalt  }
0x7b: {  	_ =	shalt  }
0x7c: {  	_ =	shalt  }
0x7d: {  	_ =	shalt  }
0x7e: {  	_ =	shalt  }
0x7f: {  	_ =	shalt  }
0x80: {  	_ =	shalt  }
0x81: {  	_ =	shalt  }
0x82: {  	_ =	shalt  }
0x83: {  	_ =	shalt  }
0x84: {  	_ =	shalt  }
0x85: {  	_ =	shalt  }
0x86: {  	_ =	shalt  }
0x87: {  	_ =	shalt  }
.Lfunc_end0:
.L_simem_size_0:
called_computation.1_lowered:
.L_overlay_start_0:
0x88: {  	s2 =	sld [smem:$0x3FD9]  }
0x89: {  	s3 =	sld [smem:$0x3FFE];
	_ =	sdelay $0x1  }
0x8a: {  	s1 =	srdreg.scid  }
0x8b: {  	s0 =	sand.u32 $0x1, s1  }
0x8c: {  	s14 =	sshll.u32 s0, $0xA;
	s2 =	sadd.s32 s3, s2  }
0x8d: {  	s2 =	sadd.s32 s2, s14  }
0x8e: {  	[smem:$0x3FBE] =	sst s2  }
0x8f: {  	_ = 	snop  }
0x90: {  	s2 =	sld [smem:$0x3FD0];
	_ =	sdelay $0x2  }
0x91: {  	s15 =	simm.s32 $0xA;
	s4 =	simm.s32 $0x10  }
0x92: {  	[smem:s4], [sflag:s15] =	dma.local [hbm:s2], $0x1  }
0x93: {  	_ =	swait.eq [sflag:s15], $0x1  }
0x94: {  	s16 =	sld [smem:$0x10]  }
0x95: {  	s17 =	sld [smem:$0x11];
	[sflag:s15] =	ssyncset.done $0x0  }
0x96: {  	s5 =	sld [smem:$0x12];
	[sflag:s15] =	ssyncadd.s32 $0xFFFFFFFF  }
0x97: {  	s18 =	sld [smem:$0x14];
	(tm) =	ssettm $0x1  }
0x98: {  	s6 =	sld [smem:$0x3FFB];
	_ =	sdelay $0x3  }
0x99: {  	_ =	strace s6  }
0x9a: {  	s6 =	sld [smem:$0x3FFC];
	_ =	sdelay $0x3  }
0x9b: {  	_ =	strace s6  }
0x9c: {  	s6 =	sld [smem:$0x3FFD];
	_ =	sdelay $0x3  }
0x9d: {  	_ =	strace s6  }
0x9e: {  	_ =	strace $0x8FFFFFFF  }
0x9f: {  	s19 =	sld [smem:$0x3FDB];
	_ =	sdelay $0x1  }
0xa0: {  	s7 =	simm.s32 $_scs_section_size  }
0xa1: {  	s8 =	simm.s32 $_size__tile_overlayer_lowered;
	s9 =	simm.s32 $_tile_overlayer_lowered  }
0xa2: {  	s22 =	simm.s32 $0x1BFF;
	s21 =	sshll.u32 s9, $0x1;
	s6 =	sadd.s32 s7, s19  }
0xa3: {  	s10 =	simm.s32 $0x0;
	s20 =	sshll.u32 s8, $0x1;
	s8 =	sadd.s32 s21, s6  }
0xa4: {  	[timem:s10], [sflag:s22] =	dma.local [hbm:s8], s20  }
0xa5: {  	_ =	swait.ge [sflag:s22], s20  }
0xa6: {  	s7 =	ssub.s32 $0x0, s20;
	[sflag:s22] =	ssyncset.done $0x0  }
0xa7: {  	[sflag:s22] =	ssyncadd.s32 s7;
	_ =	sdelay $0x1  }
0xa8: {  	s23 =	simm.s32 $0x1B8B  }
0xa9: {  	_ =	swait.ge [sflag:s23], $0x1  }
0xaa: {  	[sflag:s23] =	ssyncset.done $0x0  }
0xab: {  	s25 =	simm.s32 $0x1B8E;
	s24 =	sld [smem:$0x3FFE];
	[sflag:s23] =	ssyncadd.s32 $0xFFFFFFFF  }
0xac: {  	s26 =	simm.s32 $execute0_lowered;
	[smem:$0x3FD2] =	sst s25  }
0xad: {  	s8 =	sshll.u32 s26, $0x1;
	_ =	strace $0x80000049;
	[dreg:$0x1] =	wrdreg $0xFFFFFFFF  }
0xae: {  	s28 =	simm.s32 $_size_execute0_lowered;
	s6 =	sadd.s32 s6, s8;
	[dreg:$0x0] =	wrdreg $0x0  }
0xaf: {  	s8 =	sshll.u32 s28, $0x1;
	[dreg:$0x2] =	wrdreg s6  }
0xb0: {  	[dreg:$0x3] =	wrdreg s8  }
0xb1: {  	[dreg:$0x4] =	wrdreg $0xC0  }
0xb2: {  	_ =	task [dreg:s10], $0x5FFFF  }
0xb3: {  	[dreg:$0x1] =	wrdreg $0xFFFFFFFF  }
0xb4: {  	[dreg:$0x0] =	wrdreg $0x60  }
0xb5: {  	[dreg:$0x2] =	wrdreg s16  }
0xb6: {  	[dreg:$0x3] =	wrdreg s5  }
0xb7: {  	[dreg:$0x4] =	wrdreg s24  }
0xb8: {  	[dreg:$0x5] =	wrdreg s17  }
0xb9: {  	[dreg:$0x6] =	wrdreg s18  }
0xba: {  	[dreg:$0x7] =	wrdreg $0x0  }
0xbb: {  	[dreg:$0x8] =	wrdreg $0x9  }
0xbc: {  	_ =	task.clear_ibuf [dreg:s10], $0x9FFFF;
	_ =	strace $0x90000049  }
0xbd: {  	s29 =	simm.s32 $0x9;
	_ =	strace $0x8000004B  }
0xbe: {  	_ =	swait.ge [sflag:s29], $0x1  }
0xbf: {  	[sflag:s29] =	ssyncadd.s32 $0xFFFFFFFF  }
0xc0: {  	_ =	strace $0x9000004B  }
0xc1: {  	_ =	sfence  }
0xc2: {  	s30 =	sld [smem:$0x0];
	_ =	sdelay $0x2  }
0xc3: {  	s31 =	sshll.u32 s1, $0xD;
	s1 =	sshrl.u32 s1, $0x2  }
0xc4: {  	s3 =	sand.u32 $0x4000, s31;
	s1 =	sadd.s32 s1, s30  }
0xc5: {  	s0 =	sor.u32 s3, s0;
	s1 =	sshll.u32 s1, $0x11  }
0xc6: {  	s0 =	sor.u32 s1, s0  }
0xc7: {  	s0 =	sadd.s32 $0x8F2B, s0  }
0xc8: {  	[sflag:s0] =	ssyncadd.remote.s32 $0x1  }
0xc9: {  	_ =	sfence.sel $0xFFFF  }
0xca: {  	[dreg:$0x0] =	wrdreg $0xFFFFFFFF;
	(pc) =	sbr.abs _section_cstart, $3  }
0xcb: {  	[dreg:$0x1] =	wrdreg $0xFFFFFFFF  }
0xcc: {  	_ =	task.clear_ibuf [dreg:s10], $0x2FFFF;
	_ =	strace $0x9FFFFFFF  }
0xcd: {  	(tm) =	ssettm $0x7FFFFFFF  }
tec
execute0_lowered:
.L_overlay_start_1:
0x0: {  	(tag) =	ssettag $0x1  }
0x1: {  	s0 =	rddreg [dreg:$0x0]  }
0x2: {  	s8 =	rddreg [dreg:$0x1]  }
0x3: {  	s5 =	rddreg [dreg:$0x2]  }
0x4: {  	s2 =	rddreg [dreg:$0x3]  }
0x5: {  	s6 =	rddreg [dreg:$0x4]  }
0x6: {  	s3 =	rddreg [dreg:$0x5];
	s1 =	stileid.u32  }
0x7: {  	s4 =	simm.s32 $0x0;
	s9 =	srdreg.scid;
	s17 =	simm.s32 $0xA000  }
0x8: {  	s18 =	simm.s32 $0xB000;
	s19 =	simm.s32 $0x80;
	s20 =	simm.s32 $0xF000  }
0x9: {  	s21 =	simm.s32 $0x1;
	s22 =	simm.s32 $0x2;
	s23 =	simm.s32 $0x0  }
0xa: {  	s7 =	sshll.u32 s1, $0x4;
	[smem:$0x7FF] =	sst s4;
	s9 =	sand.u32 $0x1, s9  }
0xb: {  	s11 =	sshll.u32 s1, $0xC;
	s13 =	sshll.u32 s1, $0xF;
	s28 =	sshll.u32 s1, $0x6  }
0xc: {  	s16 =	sshll.u32 s1, $0x9;
	s7 =	sand.u32 $0x70, s7;
	_ =	strace $0x8000004A  }
0xd: {  	s26 =	ssub.s32 $0x2, s9;
	s14 =	sadd.s32 s11, s5;
	s13 =	sadd.s32 s13, s3  }
0xe: {  	s15 =	sshll.u32 s9, $0xD;
	s9 =	sshll.u32 s9, $0x10;
	s10 =	sadd.s32 s7, s5  }
0xf: {  	s12 =	sshrl.u32 s26, $0x1;
	s5 =	sadd.s32 s6, s11;
	s6 =	sor.u32 $0x1C03, s28  }
0x10: {  	s29 =	sor.u32 s16, s15;
	s31 =	sadd.s32 s9, s14;
	s14 =	simm.s32 $0x8000  }
0x11: {  	s15 =	simm.s32 $0x9000;
	s16 =	simm.s32 $0x400;
	s12 =	ssub.s32 s26, s12  }
0x12: {  	s7 =	sadd.s32 s0, s29;
	s30 =	sand.u32 $0x3000, s29;
	s8 =	sadd.s32 s8, s29  }
0x13: {  	s0 =	sadd.s32 s30, s10;
	s10 =	sadd.s32 $0x27800, s31;
	s11 =	smax.u32 s12, $0x1  }
0x14: {  	s12 =	sshrl.u32 s13, $0x3;
	s13 =	simm.s32 $0x3;
	s9 =	sadd.s32 $0x3800, s0  }
.LBB2_1:
0x15: {  	[spmem:s12], [sflag:s6] =	dma.local [hbm:s5], $0x1000  }
0x16: {  	_ =	swait.ge [sflag:s13], $0x1000  }
0x17: {  	[sflag:s13] =	ssyncset.done $0x0  }
0x18: {  	[sflag:s13] =	ssyncadd.s32 $0xFFFFF000  }
0x19: {  	[tilespmem:s14], [sflag:$0x3] =	stream.linear.gather [hbm4b:s7+s4], $0x1000, $0x38;
	[tilespmem:$0x13000] =	vst v63  }
0x1a: {  	_ =	swait.ge [sflag:s13], $0x1000  }
0x1b: {  	[sflag:s13] =	ssyncset.done $0x0  }
0x1c: {  	[sflag:s13] =	ssyncadd.s32 $0xFFFFF000  }
0x1d: {  	[tilespmem:s15], [sflag:$0x3] =	stream.linear.gather [hbm4b:s8+s4], $0x1000, $0x38;
	[tilespmem:$0x13000] =	vst v63  }
0x1e: {  	_ =	swait.ge [sflag:s13], $0x1000  }
0x1f: {  	[sflag:s13] =	ssyncset.done $0x0  }
0x20: {  	[sflag:s13] =	ssyncadd.s32 $0xFFFFF000  }
0x21: {  	[tilespmem:s17], [sflag:$0x3] =	stream.strided.gather [hbm4b:s9+s19], $0x1000, s16, s19, $0x38;
	[tilespmem:$0x13000] =	vst v63  }
0x22: {  	_ =	swait.ge [sflag:s13], $0x1000  }
0x23: {  	[sflag:s13] =	ssyncset.done $0x0  }
0x24: {  	s24 =	simm.s32 $0x80;
	[sflag:s13] =	ssyncadd.s32 $0xFFFFF000  }
0x25: {  	s25 =	simm.s32 $0x0;
	s26 =	simm.s32 $0x0;
	[bflag:$0x0] =	sbarrier.arrive $0xFFFF  }
0x26: {  	[tilespmem:s18], [sflag:$0x1] =	stream.indirect.gather [hbm4b:s2+s19], $0x80, s15, s19, $0xb8;
	[tilespmem:$0x13000] =	vst v63  }
.LBB2_2:
0x27: {  	s0 =	sshll.u32 s26, $0xA  }
0x28: {  	s28 =	sor.u32 $0x200, s0  }
0x29: {  	s0 =	sshrl.u32 s28, $0x2  }
0x2a: {  	s0 =	sadd.s32 $0x9000, s0  }
0x2b: {  	[tilespmem:s20], [sflag:$0x2] =	stream.indirect.gather [hbm4b:s2+s19], $0x80, s0, s19, $0xb8;
	[tilespmem:$0x13000] =	vst v63  }
0x2c: {  	s1 =	sadd.s32 $0x0, s25;
	_ =	swait.ge [sflag:s21], $0x4000  }
0x2d: {  	v0 =	vmov s1;
	[sflag:s21] =	ssyncset.done $0x0  }
0x2e: {  	s29 =	simm.s32 $0xB040;
	[sflag:s21] =	ssyncadd.s32 $0xFFFFC000  }
0x2f: {  	v4 =	vld [tilespmem:s29+$0x30]  }
0x30: {  	v7 =	vld [tilespmem:s29+$0x10]  }
0x31: {  	v5 =	vld [tilespmem:s29+$0xFFFFFFC0]  }
0x32: {  	v1 =	vld.idx.msk [tilespmem:v0+s17+$0x0], $0xffff  }
0x33: {  	v9 =	vld [tilespmem:s29+$0xFFFFFFE0]  }
0x34: {  	v0 =	vld [tilespmem:s29+$0xFFFFFFF0]  }
0x35: {  	v2 =	vld [tilespmem:s29+$0x20]  }
0x36: {  	v3 =	vld [tilespmem:s29+$0xFFFFFFD0]  }
0x37: {  	v8 =	vmul.f32 v4, v1;
	v4 =	vld [tilespmem:s29+$0x0]  }
0x38: {  	v6 =	vmul.f32 v5, v1  }
0x39: {  	s30 =	sshll.u32 s26, $0x1;
	s31 =	simm.s32 $0x1;
	s0 =	simm.s32 $0xB040;
	v5 =	vmul.f32 v9, v1;
	v7 =	vmul.f32 v7, v1  }
.LBB2_3:
0x3a: {  	p0 =	sne.s32 s31, $0x7F  }
0x3b: {  	v3 =	vmul.f32 v3, v1;
	v2 =	vmul.f32 v2, v1;
	[tilespmem:s29+$0x30] =	vst v8;
	s0 =	sadd.s32 $0x80, s0;
	s1 =	smov.u32 s31;
	s31 =	sadd.s32 $0x1, s31  }
0x3c: {  	[tilespmem:s29+$0xFFFFFFC0] =	vst v6;
	v6 =	vmul.f32 v0, v1;
	v1 =	vmul.f32 v4, v1  }
0x3d: {  	s1 =	sadd.s32 s1, s25;
	[tilespmem:s29+$0x10] =	vst v7  }
0x3e: {  	v4 =	vmov s1;
	[tilespmem:s29+$0xFFFFFFE0] =	vst v5  }
0x3f: {  	v0 =	vld [tilespmem:s0+$0xFFFFFFF0];
	[tilespmem:s29+$0xFFFFFFF0] =	vst v6  }
0x40: {  	v5 =	vld [tilespmem:s0+$0x30];
	[tilespmem:s29+$0x0] =	vst v1  }
0x41: {  	v7 =	vld [tilespmem:s0+$0x10];
	[tilespmem:s29+$0x20] =	vst v2  }
0x42: {  	v6 =	vld [tilespmem:s0+$0xFFFFFFC0];
	[tilespmem:s29+$0xFFFFFFD0] =	vst v3;
	s29 =	smov.u32 s0  }
0x43: {  	v1 =	vld.idx.msk [tilespmem:v4+s17+$0x0], $0xffff  }
0x44: {  	v9 =	vld [tilespmem:s0+$0xFFFFFFE0]  }
0x45: {  	v2 =	vld [tilespmem:s0+$0x20]  }
.Ltmp0:
0x46: {  	v3 =	vld [tilespmem:s0+$0xFFFFFFD0];
	(pc) =	sbr.rel @p0 .LBB2_3-.Ltmp0, $3  }
0x47: {  	v4 =	vld [tilespmem:s0+$0x0];
	_ =	sdelay $0x1  }
0x48: {  	v6 =	vmul.f32 v6, v1;
	v8 =	vmul.f32 v5, v1  }
0x49: {  	v7 =	vmul.f32 v7, v1;
	v5 =	vmul.f32 v9, v1  }
0x4a: {  	[tilespmem:s29+$0x30] =	vst v8  }
0x4b: {  	[tilespmem:s29+$0xFFFFFFC0] =	vst v6  }
0x4c: {  	v0 =	vmul.f32 v0, v1;
	[tilespmem:s29+$0x10] =	vst v7  }
0x4d: {  	v2 =	vmul.f32 v2, v1;
	[tilespmem:s29+$0xFFFFFFE0] =	vst v5  }
0x4e: {  	v4 =	vmul.f32 v4, v1;
	[tilespmem:s29+$0xFFFFFFF0] =	vst v0  }
0x4f: {  	s0 =	sshll.u32 s26, $0x8;
	v0 =	vmul.f32 v3, v1;
	[tilespmem:s29+$0x20] =	vst v2  }
0x50: {  	s0 =	sand.u32 $0x3FFFFF00, s0;
	[tilespmem:s29+$0x0] =	vst v4  }
0x51: {  	s0 =	sadd.s32 $0x8000, s0;
	[tilespmem:s29+$0xFFFFFFD0] =	vst v0  }
0x52: {  	[spmem:s3] =	stream.indirect.scatter.add.f32 [tilespmem:s18], [sflag:$0x3], $0x80, s0, s19, $0xb8;
	[tilespmem:$0x13000] =	vst v63  }
0x53: {  	s1 =	smin.u32 s30, $0x1D;
	_ =	swait.ge [sflag:s13], $0x4000  }
0x54: {  	s0 =	sshll.u32 s1, $0x7;
	[sflag:s13] =	ssyncset.done $0x0  }
0x55: {  	s0 =	sadd.s32 $0x9100, s0;
	[sflag:s13] =	ssyncadd.s32 $0xFFFFC000  }
0x56: {  	[tilespmem:s18], [sflag:$0x1] =	stream.indirect.gather [hbm4b:s2+s19], $0x80, s0, s19, $0xb8;
	[tilespmem:$0x13000] =	vst v63  }
0x57: {  	s31 =	sadd.s32 $0x0, s24;
	_ =	swait.ge [sflag:s22], $0x4000  }
0x58: {  	v0 =	vmov s31;
	[sflag:s22] =	ssyncset.done $0x0  }
0x59: {  	s29 =	simm.s32 $0xF040;
	[sflag:s22] =	ssyncadd.s32 $0xFFFFC000  }
0x5a: {  	v4 =	vld [tilespmem:s29+$0x30]  }
0x5b: {  	v7 =	vld [tilespmem:s29+$0x10]  }
0x5c: {  	v5 =	vld [tilespmem:s29+$0xFFFFFFC0]  }
0x5d: {  	v1 =	vld.idx.msk [tilespmem:v0+s17+$0x0], $0xffff  }
0x5e: {  	v9 =	vld [tilespmem:s29+$0xFFFFFFE0]  }
0x5f: {  	v0 =	vld [tilespmem:s29+$0xFFFFFFF0]  }
0x60: {  	v2 =	vld [tilespmem:s29+$0x20]  }
0x61: {  	v3 =	vld [tilespmem:s29+$0xFFFFFFD0]  }
0x62: {  	v8 =	vmul.f32 v4, v1;
	v4 =	vld [tilespmem:s29+$0x0]  }
0x63: {  	v6 =	vmul.f32 v5, v1  }
0x64: {  	s30 =	simm.s32 $0x1;
	s0 =	simm.s32 $0xF040;
	v5 =	vmul.f32 v9, v1;
	v7 =	vmul.f32 v7, v1  }
.LBB2_5:
0x65: {  	p0 =	sne.s32 s30, $0x7F  }
0x66: {  	v3 =	vmul.f32 v3, v1;
	v2 =	vmul.f32 v2, v1;
	[tilespmem:s29+$0x30] =	vst v8;
	s0 =	sadd.s32 $0x80, s0;
	s1 =	smov.u32 s30;
	s30 =	sadd.s32 $0x1, s30  }
0x67: {  	[tilespmem:s29+$0xFFFFFFC0] =	vst v6;
	v6 =	vmul.f32 v0, v1;
	v1 =	vmul.f32 v4, v1  }
0x68: {  	s1 =	sadd.s32 s1, s24;
	[tilespmem:s29+$0x10] =	vst v7  }
0x69: {  	v4 =	vmov s1;
	[tilespmem:s29+$0xFFFFFFE0] =	vst v5  }
0x6a: {  	v0 =	vld [tilespmem:s0+$0xFFFFFFF0];
	[tilespmem:s29+$0xFFFFFFF0] =	vst v6  }
0x6b: {  	v5 =	vld [tilespmem:s0+$0x30];
	[tilespmem:s29+$0x0] =	vst v1  }
0x6c: {  	v7 =	vld [tilespmem:s0+$0x10];
	[tilespmem:s29+$0x20] =	vst v2  }
0x6d: {  	v6 =	vld [tilespmem:s0+$0xFFFFFFC0];
	[tilespmem:s29+$0xFFFFFFD0] =	vst v3;
	s29 =	smov.u32 s0  }
0x6e: {  	v1 =	vld.idx.msk [tilespmem:v4+s17+$0x0], $0xffff  }
0x6f: {  	v9 =	vld [tilespmem:s0+$0xFFFFFFE0]  }
0x70: {  	v2 =	vld [tilespmem:s0+$0x20]  }
.Ltmp1:
0x71: {  	v3 =	vld [tilespmem:s0+$0xFFFFFFD0];
	(pc) =	sbr.rel @p0 .LBB2_5-.Ltmp1, $3  }
0x72: {  	v4 =	vld [tilespmem:s0+$0x0];
	_ =	sdelay $0x1  }
0x73: {  	v6 =	vmul.f32 v6, v1;
	v8 =	vmul.f32 v5, v1  }
0x74: {  	v7 =	vmul.f32 v7, v1;
	v5 =	vmul.f32 v9, v1  }
0x75: {  	[tilespmem:s29+$0x30] =	vst v8  }
0x76: {  	[tilespmem:s29+$0xFFFFFFC0] =	vst v6  }
0x77: {  	v0 =	vmul.f32 v0, v1;
	[tilespmem:s29+$0x10] =	vst v7  }
0x78: {  	v2 =	vmul.f32 v2, v1;
	[tilespmem:s29+$0xFFFFFFE0] =	vst v5  }
0x79: {  	v63 =	vmul.f32 v3, v1;
	[tilespmem:s29+$0xFFFFFFF0] =	vst v0  }
0x7a: {  	s26 =	sadd.s32 $0x1, s26;
	v4 =	vmul.f32 v4, v1;
	[tilespmem:s29+$0x20] =	vst v2  }
0x7b: {  	s0 =	sshra.s32 s28, $0x2;
	p0 =	sne.s32 s26, $0x10;
	[tilespmem:s29+$0xFFFFFFD0] =	vst v63  }
.Ltmp2:
0x7c: {  	s0 =	sadd.s32 $0x8000, s0;
	[tilespmem:s29+$0x0] =	vst v4;
	(pc) =	sbr.rel @p0 .LBB2_2-.Ltmp2, $4  }
0x7d: {  	[spmem:s3] =	stream.indirect.scatter.add.f32 [tilespmem:s20], [sflag:$0x3], $0x80, s0, s19, $0xb8;
	[tilespmem:$0x13000] =	vst v63  }
0x7e: {  	_ =	swait.ge [sflag:s13], $0x4000  }
0x7f: {  	[sflag:s13] =	ssyncset.done $0x0  }
0x80: {  	s25 =	sadd.s32 $0x100, s25;
	s24 =	sadd.s32 $0x100, s24;
	[sflag:s13] =	ssyncadd.s32 $0xFFFFC000  }
0x81: {  	_ =	swait.ge [sflag:s21], $0x4000  }
0x82: {  	s23 =	sadd.s32 $0x1, s23;
	[sflag:s21] =	ssyncset.done $0x0  }
0x83: {  	p0 =	sne.s32 s23, s11;
	[sflag:s21] =	ssyncadd.s32 $0xFFFFC000  }
.Ltmp3:
0x84: {  	[bflag:$0x0] =	sbarrier.arrive $0xFFFF;
	(pc) =	sbr.rel @p0 .LBB2_1-.Ltmp3, $4  }
0x85: {  	[hbm:s10], [sflag:s6] =	dma.local [spmem:s12], $0x1000  }
0x86: {  	_ =	swait.ge [sflag:s13], $0x1000  }
0x87: {  	[sflag:s13] =	ssyncset.done $0x0  }
0x88: {  	[sflag:s13] =	ssyncadd.s32 $0xFFFFF000  }
0x89: {  	_ =	sfence.sel $0x180000  }
0x8a: {  	[bflag:$0x0] =	sbarrier.arrive $0xFFFF  }
0x8b: {  	_ =	strace $0x9000004A  }
0x8c: {  	s0 =	stileid.u32;
	[bflag:$0x2] =	sbarrier.arrive $0xFFFF  }
0x8d: {  	p0 =	sne.s32 s0, $0x0;
	s0 =	rddreg [dreg:$0x6]  }
0x8e: {  	s0 =	sadd.s32 @!p0 $0x100000, s0  }
0x8f: {  	[sflag:s0] =	ssyncadd.tile.s32 @!p0 $0x1;
	_ =	shalt  }
.Lfunc_end2:
_tile_overlayer_lowered:
.L_overlay_start_2:
0x90: {  	(tag) =	ssettag $0x2  }
0x91: {  	s0 =	rddreg [dreg:$0x0];
	s2 =	stileid.u32  }
0x92: {  	s1 =	rddreg [dreg:$0x1];
	p0 =	sne.s32 s2, $0x0  }
0x93: {  	s3 =	rddreg [dreg:$0x2];
	[bflag:$0x3] =	sbarrier.arrive $0xFFFF;
	s2 =	simm.s32 @!p0 $0x1C03  }
0x94: {  	[timem:s3], [sflag:s2] =	dma.local @!p0 [hbm:s0], s1  }
0x95: {  	s0 =	simm.s32 @!p0 $0x3  }
0x96: {  	_ =	swait.ge @!p0 [sflag:s0], s1  }
0x97: {  	s1 =	ssub.s32 @!p0 $0x0, s1;
	[sflag:s0] =	ssyncset.done @!p0 $0x0  }
0x98: {  	[sflag:s0] =	ssyncadd.s32 @!p0 s1  }
0x99: {  	[bflag:$0x3] =	sbarrier.arrive $0xFFFF  }
0x9a: {  	_ =	shalt  }

</sc_bundles>
